<compile_context>
chip_gen: v7x
topology: tpu7x:2x2x1
jax: 0.10.2.dev20260603
libtpu: 0.0.44.dev20260713+nightly
codegen_flags: <defaults>
</compile_context>

<pallas_src>
import jax
import jax.numpy as jnp
from jax import lax
from jax.experimental import pallas as pl
from jax.experimental.pallas import tpu as pltpu
from jax.experimental.pallas import tpu_sc as plsc

BSZ = 4
SEQ = 4096
DIM = 1024
NROWS = 8192

NC = 2
NS = 16
NW = NC * NS
ROWS_PER_W = SEQ // NW
CHUNKS = (48, 48, 32)
OFFS = (0, 48, 96)
NCHUNK = 3


def _body(shape_hbm, w_hbm, out_hbm, shape_v, idx_v, buf0_v, buf1_v,
          gsem0, gsem1, wsem0, wsem1):
    wid = lax.axis_index("s") * NC + lax.axis_index("c")
    base = wid * ROWS_PER_W
    bufs = (buf0_v, buf1_v)
    gsems = (gsem0, gsem1)
    wsems = (wsem0, wsem1)

    pltpu.sync_copy(shape_hbm, shape_v.at[pl.ds(0, 2)])
    sv = shape_v[...]
    delta = (sv.at[jnp.zeros((16,), jnp.int32)].get(mode="promise_in_bounds")
             + sv.at[jnp.ones((16,), jnp.int32)].get(mode="promise_in_bounds")
             - (BSZ + SEQ))
    lanes = lax.iota(jnp.int32, 16)

    def build_idx(c):
        for j in range(CHUNKS[c] // 16):
            pos = base + OFFS[c] + j * 16 + lanes + delta
            pos = jnp.where(pos < 0, pos + NROWS, pos)
            pos = jnp.minimum(jnp.maximum(pos, 0), NROWS - 1)
            idx_v[pl.ds(OFFS[c] + j * 16, 16)] = pos

    def gather(c):
        rows = idx_v.at[pl.ds(OFFS[c], CHUNKS[c])]
        dst = bufs[c % 2]
        if CHUNKS[c] != 48:
            dst = dst.at[pl.ds(0, CHUNKS[c])]
        return pltpu.async_copy(w_hbm.at[rows], dst, gsems[c % 2])

    build_idx(0)
    gd = gather(0)
    for c in range(1, NCHUNK):
        build_idx(c)
    wd = [None, None]
    for c in range(NCHUNK):
        nb = (c + 1) % 2
        if c + 1 < NCHUNK:
            if wd[nb] is not None:
                for d in wd[nb]:
                    d.wait()
            gd_next = gather(c + 1)
        gd.wait()
        src_buf = bufs[c % 2]
        if CHUNKS[c] != 48:
            src_buf = src_buf.at[pl.ds(0, CHUNKS[c])]
        wd[c % 2] = [
            pltpu.async_copy(src_buf,
                             out_hbm.at[b, pl.ds(base + OFFS[c], CHUNKS[c])],
                             wsems[c % 2])
            for b in range(BSZ)
        ]
        if c + 1 < NCHUNK:
            gd = gd_next
    for w in wd:
        if w is not None:
            for d in w:
                d.wait()


def kernel(input_shape, weights):
    mesh = plsc.VectorSubcoreMesh(core_axis_name="c", subcore_axis_name="s")
    k = pl.kernel(
        _body,
        out_type=jax.ShapeDtypeStruct((BSZ, SEQ, DIM), jnp.float32),
        mesh=mesh,
        scratch_types=[
            pltpu.VMEM((16,), jnp.int32),
            pltpu.VMEM((ROWS_PER_W,), jnp.int32),
            pltpu.VMEM((48, DIM), jnp.float32),
            pltpu.VMEM((48, DIM), jnp.float32),
            pltpu.SemaphoreType.DMA,
            pltpu.SemaphoreType.DMA,
            pltpu.SemaphoreType.DMA,
            pltpu.SemaphoreType.DMA,
        ],
    )
    return k(input_shape.astype(jnp.int32), weights)

# --- scband reference (transcript-rebuilt; emitter-appended) ---
"""Pipeline reference for scband-sinusoidal-positional-embedding-25460566131000 (READ-ONLY COPY).

The authoritative reference and input builder live on the scoring server;
editing this copy changes nothing except your own understanding.
"""

import math
import jax, jax.numpy as jnp
import numpy as np

EMBEDDING_DIM = 1024
PADDING_IDX = 1
INIT_SIZE = 8192
BSZ = 4
SEQ_LEN = 4096


def get_embedding(num_embeddings, embedding_dim, padding_idx=None):
    half_dim = embedding_dim // 2
    emb = math.log(10000) / (half_dim - 1)
    emb = jnp.exp(jnp.arange(half_dim, dtype=jnp.float32) * -emb)
    emb = jnp.arange(num_embeddings, dtype=jnp.float32)[:, None] * emb[None, :]
    emb = jnp.concatenate([jnp.sin(emb), jnp.cos(emb)], axis=1).reshape(num_embeddings, -1)
    if embedding_dim % 2 == 1:
        emb = jnp.concatenate([emb, jnp.zeros((num_embeddings, 1), dtype=jnp.float32)], axis=1)
    if padding_idx is not None:
        emb = emb.at[padding_idx, :].set(0.0)
    return emb


def setup_inputs() -> dict:
    # input_shape encodes [bsz, seq_len]; integer constant w.r.t. the computation
    input_shape = jnp.array([BSZ, SEQ_LEN], dtype=jnp.int32)
    # precomputed sinusoidal table (buffer sized per init_kwargs)
    weights = get_embedding(INIT_SIZE, EMBEDDING_DIM, PADDING_IDX)
    return {"input_shape": input_shape, "weights": weights}


def reference(input_shape, weights):
    bsz = BSZ
    seq_len = SEQ_LEN
    # sinpostype='ratio', length=None, no incremental_state ->
    # positions = arange(seq_len); gather rows; repeat over batch
    delta = (input_shape[0] - BSZ) + (input_shape[1] - SEQ_LEN)
    positions = jnp.arange(seq_len, dtype=jnp.int32) + delta.astype(jnp.int32)
    out = jnp.take(weights, positions, axis=0).reshape(seq_len, weights.shape[1])
    out = jnp.broadcast_to(out[None, :, :], (bsz, seq_len, weights.shape[1]))
    return out

if __name__ == "__main__":
    import jax
    _d = setup_inputs()
    print(jax.jit(kernel)(*tuple(_d.values())))

</pallas_src>

<mosaic_0001>
#map = affine_map<(d0, d1) -> (0)>
#map1 = affine_map<(d0, d1) -> (0, 0)>
#map2 = affine_map<(d0, d1) -> (0, 0, 0)>
module attributes {stable_mosaic.version = 14 : i64} {
  func.func @_body(%arg0: i32, %arg1: i32, %arg2: memref<2xi32, #tpu.memory_space<hbm>>, %arg3: memref<8192x1024xf32, #tpu.memory_space<hbm>>, %arg4: memref<4x4096x1024xf32, #tpu.memory_space<hbm>>, %arg5: memref<16xi32, #tpu.memory_space<vmem>>, %arg6: memref<128xi32, #tpu.memory_space<vmem>>, %arg7: memref<48x1024xf32, #tpu.memory_space<vmem>>, %arg8: memref<48x1024xf32, #tpu.memory_space<vmem>>, %arg9: memref<!tpu.dma_semaphore, #tpu.memory_space<semaphore_mem>>, %arg10: memref<!tpu.dma_semaphore, #tpu.memory_space<semaphore_mem>>, %arg11: memref<!tpu.dma_semaphore, #tpu.memory_space<semaphore_mem>>, %arg12: memref<!tpu.dma_semaphore, #tpu.memory_space<semaphore_mem>>) attributes {dimension_semantics = [#tpu.dimension_semantics<core_parallel>, #tpu.dimension_semantics<subcore_parallel>], iteration_bounds = array<i64: 2, 16>, scalar_prefetch = 0 : i64, scratch_operands = 8 : i64, tpu.core_type = #tpu.core_type<sc_vector_subcore>, window_params = [{transform_indices = #map}, {transform_indices = #map1}, {transform_indices = #map2}]} {
    %mul3A = arith.constant 2 : i32
    %mul3A_0 = arith.muli %arg1, %mul3A : i32
    %add3A = arith.addi %mul3A_0, %arg0 : i32
    %mul3A_1 = arith.constant 128 : i32
    %mul3A_2 = arith.muli %add3A, %mul3A_1 : i32
    "tpu.region"() ({
      %run_scoped3A = tpu.sem_alloc : memref<!tpu.dma_semaphore, #tpu.memory_space<semaphore_mem>>
      %dma_start3A_491 = arith.constant 0 : i32
      %dma_start3A_492 = tpu.memref_slice %arg5[%dma_start3A_491] : memref<16xi32, #tpu.memory_space<vmem>> -> memref<2xi32, #tpu.memory_space<vmem>>
      %dma_start3A_493 = arith.constant 0 : i32
      %dma_start3A_494 = tpu.memref_slice %arg5[%dma_start3A_493] : memref<16xi32, #tpu.memory_space<vmem>> -> memref<2xi32, #tpu.memory_space<vmem>>
      tpu.enqueue_dma source(%arg2 : memref<2xi32, #tpu.memory_space<hbm>>) target(%dma_start3A_494 : memref<2xi32, #tpu.memory_space<vmem>>) target_semaphore(%run_scoped3A : memref<!tpu.dma_semaphore, #tpu.memory_space<semaphore_mem>>)
      %dma_wait3A_495 = arith.constant 0 : i32
      %dma_wait3A_496 = tpu.memref_slice %arg5[%dma_wait3A_495] : memref<16xi32, #tpu.memory_space<vmem>> -> memref<2xi32, #tpu.memory_space<vmem>>
      %dma_wait3A_497 = arith.constant 0 : i32
      %dma_wait3A_498 = tpu.memref_slice %arg5[%dma_wait3A_497] : memref<16xi32, #tpu.memory_space<vmem>> -> memref<2xi32, #tpu.memory_space<vmem>>
      tpu.wait_dma2 semaphore(%run_scoped3A : memref<!tpu.dma_semaphore, #tpu.memory_space<semaphore_mem>>) src(%arg2 : memref<2xi32, #tpu.memory_space<hbm>>) dst(%dma_wait3A_498 : memref<2xi32, #tpu.memory_space<vmem>>)
      tpu.yield
    }) : () -> ()
    %get3A = arith.constant 0 : index
    %get3A_3 = tpu.vector_load %arg5[%get3A] {strides = array<i32>} : memref<16xi32, #tpu.memory_space<vmem>>, vector<16xi32>,
    %get3A_4 = vector.shape_cast %get3A_3 : vector<16xi32> to vector<16xi32>
    %broadcast_in_dim3A = arith.constant 0 : i32
    %broadcast_in_dim3A_5 = vector.broadcast %broadcast_in_dim3A : i32 to vector<16xi32>
    %lt3A = arith.constant 0 : i32
    %lt3A_6 = vector.broadcast %lt3A : i32 to vector<16xi32>
    %lt3A_7 = arith.cmpi slt, %broadcast_in_dim3A_5, %lt3A_6 : vector<16xi32>
    %add3A_8 = arith.constant 16 : i32
    %add3A_9 = vector.broadcast %add3A_8 : i32 to vector<16xi32>
    %add3A_10 = arith.addi %broadcast_in_dim3A_5, %add3A_9 : vector<16xi32>
    %select_n3A = arith.select %lt3A_7, %add3A_10, %broadcast_in_dim3A_5 : vector<16xi1>, vector<16xi32>
    %broadcast_in_dim3A_11 = vector.shape_cast %select_n3A : vector<16xi32> to vector<16x1xi32>
    %gather3A = vector.shape_cast %broadcast_in_dim3A_11 : vector<16x1xi32> to vector<16xi32>
    %gather3A_12 = tpu.dynamic_gather %get3A_4[%gather3A] in [0] : vector<16xi32>, vector<16xi32> -> vector<16xi32>
    %broadcast_in_dim3A_13 = arith.constant 1 : i32
    %broadcast_in_dim3A_14 = vector.broadcast %broadcast_in_dim3A_13 : i32 to vector<16xi32>
    %lt3A_15 = arith.constant 0 : i32
    %lt3A_16 = vector.broadcast %lt3A_15 : i32 to vector<16xi32>
    %lt3A_17 = arith.cmpi slt, %broadcast_in_dim3A_14, %lt3A_16 : vector<16xi32>
    %add3A_18 = arith.constant 16 : i32
    %add3A_19 = vector.broadcast %add3A_18 : i32 to vector<16xi32>
    %add3A_20 = arith.addi %broadcast_in_dim3A_14, %add3A_19 : vector<16xi32>
    %select_n3A_21 = arith.select %lt3A_17, %add3A_20, %broadcast_in_dim3A_14 : vector<16xi1>, vector<16xi32>
    %broadcast_in_dim3A_22 = vector.shape_cast %select_n3A_21 : vector<16xi32> to vector<16x1xi32>
    %gather3A_23 = vector.shape_cast %broadcast_in_dim3A_22 : vector<16x1xi32> to vector<16xi32>
    %gather3A_24 = tpu.dynamic_gather %get3A_4[%gather3A_23] in [0] : vector<16xi32>, vector<16xi32> -> vector<16xi32>
    %add3A_25 = arith.addi %gather3A_12, %gather3A_24 : vector<16xi32>
    %sub3A = arith.constant 4100 : i32
    %sub3A_26 = vector.broadcast %sub3A : i32 to vector<16xi32>
    %sub3A_27 = arith.subi %add3A_25, %sub3A_26 : vector<16xi32>
    %iota3A = tpu.iota {dimensions = array<i32: 0>} : vector<16xi32>
    %add3A_28 = arith.constant 0 : i32
    %add3A_29 = arith.addi %mul3A_2, %add3A_28 : i32
    %add3A_30 = arith.constant 0 : i32
    %add3A_31 = arith.addi %add3A_29, %add3A_30 : i32
    %add3A_32 = vector.broadcast %add3A_31 : i32 to vector<16xi32>
    %add3A_33 = arith.addi %add3A_32, %iota3A : vector<16xi32>
    %add3A_34 = arith.addi %add3A_33, %sub3A_27 : vector<16xi32>
    %lt3A_35 = arith.constant 0 : i32
    %lt3A_36 = vector.broadcast %lt3A_35 : i32 to vector<16xi32>
    %lt3A_37 = arith.cmpi slt, %add3A_34, %lt3A_36 : vector<16xi32>
    %add3A_38 = arith.constant 8192 : i32
    %add3A_39 = vector.broadcast %add3A_38 : i32 to vector<16xi32>
    %add3A_40 = arith.addi %add3A_34, %add3A_39 : vector<16xi32>
    %select_n3A_41 = arith.select %lt3A_37, %add3A_40, %add3A_34 : vector<16xi1>, vector<16xi32>
    %max3A = arith.constant 0 : i32
    %max3A_42 = vector.broadcast %max3A : i32 to vector<16xi32>
    %max3A_43 = arith.maxsi %select_n3A_41, %max3A_42 : vector<16xi32>
    %min3A = arith.constant 8191 : i32
    %min3A_44 = vector.broadcast %min3A : i32 to vector<16xi32>
    %min3A_45 = arith.minsi %max3A_43, %min3A_44 : vector<16xi32>
    %swap3A = arith.constant 0 : index
    %swap3A_46 = tpu.vector_load %arg6[%swap3A] {strides = array<i32>} : memref<128xi32, #tpu.memory_space<vmem>>, vector<16xi32>,
    %swap3A_47 = vector.shape_cast %swap3A_46 : vector<16xi32> to vector<16xi32>
    %swap3A_48 = vector.shape_cast %min3A_45 : vector<16xi32> to vector<16xi32>
    tpu.vector_store %arg6[%swap3A], %swap3A_48 {strides = array<i32>} : memref<128xi32, #tpu.memory_space<vmem>>, vector<16xi32>,
    %add3A_49 = arith.constant 0 : i32
    %add3A_50 = arith.addi %mul3A_2, %add3A_49 : i32
    %add3A_51 = arith.constant 16 : i32
    %add3A_52 = arith.addi %add3A_50, %add3A_51 : i32
    %add3A_53 = vector.broadcast %add3A_52 : i32 to vector<16xi32>
    %add3A_54 = arith.addi %add3A_53, %iota3A : vector<16xi32>
    %add3A_55 = arith.addi %add3A_54, %sub3A_27 : vector<16xi32>
    %lt3A_56 = arith.constant 0 : i32
    %lt3A_57 = vector.broadcast %lt3A_56 : i32 to vector<16xi32>
    %lt3A_58 = arith.cmpi slt, %add3A_55, %lt3A_57 : vector<16xi32>
    %add3A_59 = arith.constant 8192 : i32
    %add3A_60 = vector.broadcast %add3A_59 : i32 to vector<16xi32>
    %add3A_61 = arith.addi %add3A_55, %add3A_60 : vector<16xi32>
    %select_n3A_62 = arith.select %lt3A_58, %add3A_61, %add3A_55 : vector<16xi1>, vector<16xi32>
    %max3A_63 = arith.constant 0 : i32
    %max3A_64 = vector.broadcast %max3A_63 : i32 to vector<16xi32>
    %max3A_65 = arith.maxsi %select_n3A_62, %max3A_64 : vector<16xi32>
    %min3A_66 = arith.constant 8191 : i32
    %min3A_67 = vector.broadcast %min3A_66 : i32 to vector<16xi32>
    %min3A_68 = arith.minsi %max3A_65, %min3A_67 : vector<16xi32>
    %swap3A_69 = arith.constant 16 : index
    %swap3A_70 = tpu.vector_load %arg6[%swap3A_69] {strides = array<i32>} : memref<128xi32, #tpu.memory_space<vmem>>, vector<16xi32>,
    %swap3A_71 = vector.shape_cast %swap3A_70 : vector<16xi32> to vector<16xi32>
    %swap3A_72 = vector.shape_cast %min3A_68 : vector<16xi32> to vector<16xi32>
    tpu.vector_store %arg6[%swap3A_69], %swap3A_72 {strides = array<i32>} : memref<128xi32, #tpu.memory_space<vmem>>, vector<16xi32>,
    %add3A_73 = arith.constant 0 : i32
    %add3A_74 = arith.addi %mul3A_2, %add3A_73 : i32
    %add3A_75 = arith.constant 32 : i32
    %add3A_76 = arith.addi %add3A_74, %add3A_75 : i32
    %add3A_77 = vector.broadcast %add3A_76 : i32 to vector<16xi32>
    %add3A_78 = arith.addi %add3A_77, %iota3A : vector<16xi32>
    %add3A_79 = arith.addi %add3A_78, %sub3A_27 : vector<16xi32>
    %lt3A_80 = arith.constant 0 : i32
    %lt3A_81 = vector.broadcast %lt3A_80 : i32 to vector<16xi32>
    %lt3A_82 = arith.cmpi slt, %add3A_79, %lt3A_81 : vector<16xi32>
    %add3A_83 = arith.constant 8192 : i32
    %add3A_84 = vector.broadcast %add3A_83 : i32 to vector<16xi32>
    %add3A_85 = arith.addi %add3A_79, %add3A_84 : vector<16xi32>
    %select_n3A_86 = arith.select %lt3A_82, %add3A_85, %add3A_79 : vector<16xi1>, vector<16xi32>
    %max3A_87 = arith.constant 0 : i32
    %max3A_88 = vector.broadcast %max3A_87 : i32 to vector<16xi32>
    %max3A_89 = arith.maxsi %select_n3A_86, %max3A_88 : vector<16xi32>
    %min3A_90 = arith.constant 8191 : i32
    %min3A_91 = vector.broadcast %min3A_90 : i32 to vector<16xi32>
    %min3A_92 = arith.minsi %max3A_89, %min3A_91 : vector<16xi32>
    %swap3A_93 = arith.constant 32 : index
    %swap3A_94 = tpu.vector_load %arg6[%swap3A_93] {strides = array<i32>} : memref<128xi32, #tpu.memory_space<vmem>>, vector<16xi32>,
    %swap3A_95 = vector.shape_cast %swap3A_94 : vector<16xi32> to vector<16xi32>
    %swap3A_96 = vector.shape_cast %min3A_92 : vector<16xi32> to vector<16xi32>
    tpu.vector_store %arg6[%swap3A_93], %swap3A_96 {strides = array<i32>} : memref<128xi32, #tpu.memory_space<vmem>>, vector<16xi32>,
    %dma_start3A = arith.constant 0 : i32
    %dma_start3A_97 = tpu.memref_slice %arg6[%dma_start3A] : memref<128xi32, #tpu.memory_space<vmem>> -> memref<48xi32, #tpu.memory_space<vmem>>
    %dma_start3A_98 = arith.constant 0 : i32
    %dma_start3A_99 = arith.constant 0 : i32
    %dma_start3A_100 = tpu.memref_slice %arg3[%dma_start3A_98, %dma_start3A_99] : memref<8192x1024xf32, #tpu.memory_space<hbm>> -> memref<8192x1024xf32, #tpu.memory_space<hbm>>
    tpu.enqueue_indirect_dma source(%dma_start3A_100 : memref<8192x1024xf32, #tpu.memory_space<hbm>>) target(%arg7 : memref<48x1024xf32, #tpu.memory_space<vmem>>) offsets(%dma_start3A_97 : memref<48xi32, #tpu.memory_space<vmem>>) semaphore(%arg9 : memref<!tpu.dma_semaphore, #tpu.memory_space<semaphore_mem>>)
    %add3A_101 = arith.constant 48 : i32
    %add3A_102 = arith.addi %mul3A_2, %add3A_101 : i32
    %add3A_103 = arith.constant 0 : i32
    %add3A_104 = arith.addi %add3A_102, %add3A_103 : i32
    %add3A_105 = vector.broadcast %add3A_104 : i32 to vector<16xi32>
    %add3A_106 = arith.addi %add3A_105, %iota3A : vector<16xi32>
    %add3A_107 = arith.addi %add3A_106, %sub3A_27 : vector<16xi32>
    %lt3A_108 = arith.constant 0 : i32
    %lt3A_109 = vector.broadcast %lt3A_108 : i32 to vector<16xi32>
    %lt3A_110 = arith.cmpi slt, %add3A_107, %lt3A_109 : vector<16xi32>
    %add3A_111 = arith.constant 8192 : i32
    %add3A_112 = vector.broadcast %add3A_111 : i32 to vector<16xi32>
    %add3A_113 = arith.addi %add3A_107, %add3A_112 : vector<16xi32>
    %select_n3A_114 = arith.select %lt3A_110, %add3A_113, %add3A_107 : vector<16xi1>, vector<16xi32>
    %max3A_115 = arith.constant 0 : i32
    %max3A_116 = vector.broadcast %max3A_115 : i32 to vector<16xi32>
    %max3A_117 = arith.maxsi %select_n3A_114, %max3A_116 : vector<16xi32>
    %min3A_118 = arith.constant 8191 : i32
    %min3A_119 = vector.broadcast %min3A_118 : i32 to vector<16xi32>
    %min3A_120 = arith.minsi %max3A_117, %min3A_119 : vector<16xi32>
    %swap3A_121 = arith.constant 48 : index
    %swap3A_122 = tpu.vector_load %arg6[%swap3A_121] {strides = array<i32>} : memref<128xi32, #tpu.memory_space<vmem>>, vector<16xi32>,
    %swap3A_123 = vector.shape_cast %swap3A_122 : vector<16xi32> to vector<16xi32>
    %swap3A_124 = vector.shape_cast %min3A_120 : vector<16xi32> to vector<16xi32>
    tpu.vector_store %arg6[%swap3A_121], %swap3A_124 {strides = array<i32>} : memref<128xi32, #tpu.memory_space<vmem>>, vector<16xi32>,
    %add3A_125 = arith.constant 48 : i32
    %add3A_126 = arith.addi %mul3A_2, %add3A_125 : i32
    %add3A_127 = arith.constant 16 : i32
    %add3A_128 = arith.addi %add3A_126, %add3A_127 : i32
    %add3A_129 = vector.broadcast %add3A_128 : i32 to vector<16xi32>
    %add3A_130 = arith.addi %add3A_129, %iota3A : vector<16xi32>
    %add3A_131 = arith.addi %add3A_130, %sub3A_27 : vector<16xi32>
    %lt3A_132 = arith.constant 0 : i32
    %lt3A_133 = vector.broadcast %lt3A_132 : i32 to vector<16xi32>
    %lt3A_134 = arith.cmpi slt, %add3A_131, %lt3A_133 : vector<16xi32>
    %add3A_135 = arith.constant 8192 : i32
    %add3A_136 = vector.broadcast %add3A_135 : i32 to vector<16xi32>
    %add3A_137 = arith.addi %add3A_131, %add3A_136 : vector<16xi32>
    %select_n3A_138 = arith.select %lt3A_134, %add3A_137, %add3A_131 : vector<16xi1>, vector<16xi32>
    %max3A_139 = arith.constant 0 : i32
    %max3A_140 = vector.broadcast %max3A_139 : i32 to vector<16xi32>
    %max3A_141 = arith.maxsi %select_n3A_138, %max3A_140 : vector<16xi32>
    %min3A_142 = arith.constant 8191 : i32
    %min3A_143 = vector.broadcast %min3A_142 : i32 to vector<16xi32>
    %min3A_144 = arith.minsi %max3A_141, %min3A_143 : vector<16xi32>
    %swap3A_145 = arith.constant 64 : index
    %swap3A_146 = tpu.vector_load %arg6[%swap3A_145] {strides = array<i32>} : memref<128xi32, #tpu.memory_space<vmem>>, vector<16xi32>,
    %swap3A_147 = vector.shape_cast %swap3A_146 : vector<16xi32> to vector<16xi32>
    %swap3A_148 = vector.shape_cast %min3A_144 : vector<16xi32> to vector<16xi32>
    tpu.vector_store %arg6[%swap3A_145], %swap3A_148 {strides = array<i32>} : memref<128xi32, #tpu.memory_space<vmem>>, vector<16xi32>,
    %add3A_149 = arith.constant 48 : i32
    %add3A_150 = arith.addi %mul3A_2, %add3A_149 : i32
    %add3A_151 = arith.constant 32 : i32
    %add3A_152 = arith.addi %add3A_150, %add3A_151 : i32
    %add3A_153 = vector.broadcast %add3A_152 : i32 to vector<16xi32>
    %add3A_154 = arith.addi %add3A_153, %iota3A : vector<16xi32>
    %add3A_155 = arith.addi %add3A_154, %sub3A_27 : vector<16xi32>
    %lt3A_156 = arith.constant 0 : i32
    %lt3A_157 = vector.broadcast %lt3A_156 : i32 to vector<16xi32>
    %lt3A_158 = arith.cmpi slt, %add3A_155, %lt3A_157 : vector<16xi32>
    %add3A_159 = arith.constant 8192 : i32
    %add3A_160 = vector.broadcast %add3A_159 : i32 to vector<16xi32>
    %add3A_161 = arith.addi %add3A_155, %add3A_160 : vector<16xi32>
    %select_n3A_162 = arith.select %lt3A_158, %add3A_161, %add3A_155 : vector<16xi1>, vector<16xi32>
    %max3A_163 = arith.constant 0 : i32
    %max3A_164 = vector.broadcast %max3A_163 : i32 to vector<16xi32>
    %max3A_165 = arith.maxsi %select_n3A_162, %max3A_164 : vector<16xi32>
    %min3A_166 = arith.constant 8191 : i32
    %min3A_167 = vector.broadcast %min3A_166 : i32 to vector<16xi32>
    %min3A_168 = arith.minsi %max3A_165, %min3A_167 : vector<16xi32>
    %swap3A_169 = arith.constant 80 : index
    %swap3A_170 = tpu.vector_load %arg6[%swap3A_169] {strides = array<i32>} : memref<128xi32, #tpu.memory_space<vmem>>, vector<16xi32>,
    %swap3A_171 = vector.shape_cast %swap3A_170 : vector<16xi32> to vector<16xi32>
    %swap3A_172 = vector.shape_cast %min3A_168 : vector<16xi32> to vector<16xi32>
    tpu.vector_store %arg6[%swap3A_169], %swap3A_172 {strides = array<i32>} : memref<128xi32, #tpu.memory_space<vmem>>, vector<16xi32>,
    %add3A_173 = arith.constant 96 : i32
    %add3A_174 = arith.addi %mul3A_2, %add3A_173 : i32
    %add3A_175 = arith.constant 0 : i32
    %add3A_176 = arith.addi %add3A_174, %add3A_175 : i32
    %add3A_177 = vector.broadcast %add3A_176 : i32 to vector<16xi32>
    %add3A_178 = arith.addi %add3A_177, %iota3A : vector<16xi32>
    %add3A_179 = arith.addi %add3A_178, %sub3A_27 : vector<16xi32>
    %lt3A_180 = arith.constant 0 : i32
    %lt3A_181 = vector.broadcast %lt3A_180 : i32 to vector<16xi32>
    %lt3A_182 = arith.cmpi slt, %add3A_179, %lt3A_181 : vector<16xi32>
    %add3A_183 = arith.constant 8192 : i32
    %add3A_184 = vector.broadcast %add3A_183 : i32 to vector<16xi32>
    %add3A_185 = arith.addi %add3A_179, %add3A_184 : vector<16xi32>
    %select_n3A_186 = arith.select %lt3A_182, %add3A_185, %add3A_179 : vector<16xi1>, vector<16xi32>
    %max3A_187 = arith.constant 0 : i32
    %max3A_188 = vector.broadcast %max3A_187 : i32 to vector<16xi32>
    %max3A_189 = arith.maxsi %select_n3A_186, %max3A_188 : vector<16xi32>
    %min3A_190 = arith.constant 8191 : i32
    %min3A_191 = vector.broadcast %min3A_190 : i32 to vector<16xi32>
    %min3A_192 = arith.minsi %max3A_189, %min3A_191 : vector<16xi32>
    %swap3A_193 = arith.constant 96 : index
    %swap3A_194 = tpu.vector_load %arg6[%swap3A_193] {strides = array<i32>} : memref<128xi32, #tpu.memory_space<vmem>>, vector<16xi32>,
    %swap3A_195 = vector.shape_cast %swap3A_194 : vector<16xi32> to vector<16xi32>
    %swap3A_196 = vector.shape_cast %min3A_192 : vector<16xi32> to vector<16xi32>
    tpu.vector_store %arg6[%swap3A_193], %swap3A_196 {strides = array<i32>} : memref<128xi32, #tpu.memory_space<vmem>>, vector<16xi32>,
    %add3A_197 = arith.constant 96 : i32
    %add3A_198 = arith.addi %mul3A_2, %add3A_197 : i32
    %add3A_199 = arith.constant 16 : i32
    %add3A_200 = arith.addi %add3A_198, %add3A_199 : i32
    %add3A_201 = vector.broadcast %add3A_200 : i32 to vector<16xi32>
    %add3A_202 = arith.addi %add3A_201, %iota3A : vector<16xi32>
    %add3A_203 = arith.addi %add3A_202, %sub3A_27 : vector<16xi32>
    %lt3A_204 = arith.constant 0 : i32
    %lt3A_205 = vector.broadcast %lt3A_204 : i32 to vector<16xi32>
    %lt3A_206 = arith.cmpi slt, %add3A_203, %lt3A_205 : vector<16xi32>
    %add3A_207 = arith.constant 8192 : i32
    %add3A_208 = vector.broadcast %add3A_207 : i32 to vector<16xi32>
    %add3A_209 = arith.addi %add3A_203, %add3A_208 : vector<16xi32>
    %select_n3A_210 = arith.select %lt3A_206, %add3A_209, %add3A_203 : vector<16xi1>, vector<16xi32>
    %max3A_211 = arith.constant 0 : i32
    %max3A_212 = vector.broadcast %max3A_211 : i32 to vector<16xi32>
    %max3A_213 = arith.maxsi %select_n3A_210, %max3A_212 : vector<16xi32>
    %min3A_214 = arith.constant 8191 : i32
    %min3A_215 = vector.broadcast %min3A_214 : i32 to vector<16xi32>
    %min3A_216 = arith.minsi %max3A_213, %min3A_215 : vector<16xi32>
    %swap3A_217 = arith.constant 112 : index
    %swap3A_218 = tpu.vector_load %arg6[%swap3A_217] {strides = array<i32>} : memref<128xi32, #tpu.memory_space<vmem>>, vector<16xi32>,
    %swap3A_219 = vector.shape_cast %swap3A_218 : vector<16xi32> to vector<16xi32>
    %swap3A_220 = vector.shape_cast %min3A_216 : vector<16xi32> to vector<16xi32>
    tpu.vector_store %arg6[%swap3A_217], %swap3A_220 {strides = array<i32>} : memref<128xi32, #tpu.memory_space<vmem>>, vector<16xi32>,
    %dma_start3A_221 = arith.constant 48 : i32
    %dma_start3A_222 = tpu.memref_slice %arg6[%dma_start3A_221] : memref<128xi32, #tpu.memory_space<vmem>> -> memref<48xi32, #tpu.memory_space<vmem>>
    %dma_start3A_223 = arith.constant 0 : i32
    %dma_start3A_224 = arith.constant 0 : i32
    %dma_start3A_225 = tpu.memref_slice %arg3[%dma_start3A_223, %dma_start3A_224] : memref<8192x1024xf32, #tpu.memory_space<hbm>> -> memref<8192x1024xf32, #tpu.memory_space<hbm>>
    tpu.enqueue_indirect_dma source(%dma_start3A_225 : memref<8192x1024xf32, #tpu.memory_space<hbm>>) target(%arg8 : memref<48x1024xf32, #tpu.memory_space<vmem>>) offsets(%dma_start3A_222 : memref<48xi32, #tpu.memory_space<vmem>>) semaphore(%arg10 : memref<!tpu.dma_semaphore, #tpu.memory_space<semaphore_mem>>)
    %dma_wait3A = arith.constant 0 : i32
    %dma_wait3A_226 = tpu.memref_slice %arg6[%dma_wait3A] : memref<128xi32, #tpu.memory_space<vmem>> -> memref<48xi32, #tpu.memory_space<vmem>>
    %dma_wait3A_227 = arith.constant 0 : i32
    %dma_wait3A_228 = arith.constant 0 : i32
    %dma_wait3A_229 = tpu.memref_slice %arg3[%dma_wait3A_227, %dma_wait3A_228] : memref<8192x1024xf32, #tpu.memory_space<hbm>> -> memref<8192x1024xf32, #tpu.memory_space<hbm>>
    tpu.wait_indirect_dma semaphore(%arg9 : memref<!tpu.dma_semaphore, #tpu.memory_space<semaphore_mem>>) src(%dma_wait3A_229 : memref<8192x1024xf32, #tpu.memory_space<hbm>>) dst(%arg7 : memref<48x1024xf32, #tpu.memory_space<vmem>>)
    %add3A_230 = arith.constant 0 : i32
    %add3A_231 = arith.addi %mul3A_2, %add3A_230 : i32
    %dma_start3A_232 = arith.constant 0 : i32
    %dma_start3A_233 = arith.constant 0 : i32
    %dma_start3A_234 = tpu.memref_slice %arg4[%dma_start3A_232, %add3A_231, %dma_start3A_233] : memref<4x4096x1024xf32, #tpu.memory_space<hbm>> -> memref<1x48x1024xf32, #tpu.memory_space<hbm>>
    %dma_start3A_235 = tpu.memref_squeeze %dma_start3A_234 : memref<1x48x1024xf32, #tpu.memory_space<hbm>> -> memref<48x1024xf32, #tpu.memory_space<hbm>>
    %dma_start3A_236 = arith.constant 0 : i32
    %dma_start3A_237 = tpu.memref_slice %arg4[%dma_start3A_232, %add3A_231, %dma_start3A_236] : memref<4x4096x1024xf32, #tpu.memory_space<hbm>> -> memref<1x48x1024xf32, #tpu.memory_space<hbm>>
    %dma_start3A_238 = tpu.memref_squeeze %dma_start3A_237 : memref<1x48x1024xf32, #tpu.memory_space<hbm>> -> memref<48x1024xf32, #tpu.memory_space<hbm>>
    tpu.enqueue_dma source(%arg7 : memref<48x1024xf32, #tpu.memory_space<vmem>>) target(%dma_start3A_238 : memref<48x1024xf32, #tpu.memory_space<hbm>>) target_semaphore(%arg11 : memref<!tpu.dma_semaphore, #tpu.memory_space<semaphore_mem>>)
    %add3A_239 = arith.constant 0 : i32
    %add3A_240 = arith.addi %mul3A_2, %add3A_239 : i32
    %dma_start3A_241 = arith.constant 1 : i32
    %dma_start3A_242 = arith.constant 0 : i32
    %dma_start3A_243 = tpu.memref_slice %arg4[%dma_start3A_241, %add3A_240, %dma_start3A_242] : memref<4x4096x1024xf32, #tpu.memory_space<hbm>> -> memref<1x48x1024xf32, #tpu.memory_space<hbm>>
    %dma_start3A_244 = tpu.memref_squeeze %dma_start3A_243 : memref<1x48x1024xf32, #tpu.memory_space<hbm>> -> memref<48x1024xf32, #tpu.memory_space<hbm>>
    %dma_start3A_245 = arith.constant 0 : i32
    %dma_start3A_246 = tpu.memref_slice %arg4[%dma_start3A_241, %add3A_240, %dma_start3A_245] : memref<4x4096x1024xf32, #tpu.memory_space<hbm>> -> memref<1x48x1024xf32, #tpu.memory_space<hbm>>
    %dma_start3A_247 = tpu.memref_squeeze %dma_start3A_246 : memref<1x48x1024xf32, #tpu.memory_space<hbm>> -> memref<48x1024xf32, #tpu.memory_space<hbm>>
    tpu.enqueue_dma source(%arg7 : memref<48x1024xf32, #tpu.memory_space<vmem>>) target(%dma_start3A_247 : memref<48x1024xf32, #tpu.memory_space<hbm>>) target_semaphore(%arg11 : memref<!tpu.dma_semaphore, #tpu.memory_space<semaphore_mem>>)
    %add3A_248 = arith.constant 0 : i32
    %add3A_249 = arith.addi %mul3A_2, %add3A_248 : i32
    %dma_start3A_250 = arith.constant 2 : i32
    %dma_start3A_251 = arith.constant 0 : i32
    %dma_start3A_252 = tpu.memref_slice %arg4[%dma_start3A_250, %add3A_249, %dma_start3A_251] : memref<4x4096x1024xf32, #tpu.memory_space<hbm>> -> memref<1x48x1024xf32, #tpu.memory_space<hbm>>
    %dma_start3A_253 = tpu.memref_squeeze %dma_start3A_252 : memref<1x48x1024xf32, #tpu.memory_space<hbm>> -> memref<48x1024xf32, #tpu.memory_space<hbm>>
    %dma_start3A_254 = arith.constant 0 : i32
    %dma_start3A_255 = tpu.memref_slice %arg4[%dma_start3A_250, %add3A_249, %dma_start3A_254] : memref<4x4096x1024xf32, #tpu.memory_space<hbm>> -> memref<1x48x1024xf32, #tpu.memory_space<hbm>>
    %dma_start3A_256 = tpu.memref_squeeze %dma_start3A_255 : memref<1x48x1024xf32, #tpu.memory_space<hbm>> -> memref<48x1024xf32, #tpu.memory_space<hbm>>
    tpu.enqueue_dma source(%arg7 : memref<48x1024xf32, #tpu.memory_space<vmem>>) target(%dma_start3A_256 : memref<48x1024xf32, #tpu.memory_space<hbm>>) target_semaphore(%arg11 : memref<!tpu.dma_semaphore, #tpu.memory_space<semaphore_mem>>)
    %add3A_257 = arith.constant 0 : i32
    %add3A_258 = arith.addi %mul3A_2, %add3A_257 : i32
    %dma_start3A_259 = arith.constant 3 : i32
    %dma_start3A_260 = arith.constant 0 : i32
    %dma_start3A_261 = tpu.memref_slice %arg4[%dma_start3A_259, %add3A_258, %dma_start3A_260] : memref<4x4096x1024xf32, #tpu.memory_space<hbm>> -> memref<1x48x1024xf32, #tpu.memory_space<hbm>>
    %dma_start3A_262 = tpu.memref_squeeze %dma_start3A_261 : memref<1x48x1024xf32, #tpu.memory_space<hbm>> -> memref<48x1024xf32, #tpu.memory_space<hbm>>
    %dma_start3A_263 = arith.constant 0 : i32
    %dma_start3A_264 = tpu.memref_slice %arg4[%dma_start3A_259, %add3A_258, %dma_start3A_263] : memref<4x4096x1024xf32, #tpu.memory_space<hbm>> -> memref<1x48x1024xf32, #tpu.memory_space<hbm>>
    %dma_start3A_265 = tpu.memref_squeeze %dma_start3A_264 : memref<1x48x1024xf32, #tpu.memory_space<hbm>> -> memref<48x1024xf32, #tpu.memory_space<hbm>>
    tpu.enqueue_dma source(%arg7 : memref<48x1024xf32, #tpu.memory_space<vmem>>) target(%dma_start3A_265 : memref<48x1024xf32, #tpu.memory_space<hbm>>) target_semaphore(%arg11 : memref<!tpu.dma_semaphore, #tpu.memory_space<semaphore_mem>>)
    %dma_wait3A_266 = arith.constant 0 : i32
    %dma_wait3A_267 = arith.constant 0 : i32
    %dma_wait3A_268 = tpu.memref_slice %arg4[%dma_wait3A_266, %add3A_231, %dma_wait3A_267] : memref<4x4096x1024xf32, #tpu.memory_space<hbm>> -> memref<1x48x1024xf32, #tpu.memory_space<hbm>>
    %dma_wait3A_269 = tpu.memref_squeeze %dma_wait3A_268 : memref<1x48x1024xf32, #tpu.memory_space<hbm>> -> memref<48x1024xf32, #tpu.memory_space<hbm>>
    %dma_wait3A_270 = arith.constant 0 : i32
    %dma_wait3A_271 = tpu.memref_slice %arg4[%dma_wait3A_266, %add3A_231, %dma_wait3A_270] : memref<4x4096x1024xf32, #tpu.memory_space<hbm>> -> memref<1x48x1024xf32, #tpu.memory_space<hbm>>
    %dma_wait3A_272 = tpu.memref_squeeze %dma_wait3A_271 : memref<1x48x1024xf32, #tpu.memory_space<hbm>> -> memref<48x1024xf32, #tpu.memory_space<hbm>>
    tpu.wait_dma2 semaphore(%arg11 : memref<!tpu.dma_semaphore, #tpu.memory_space<semaphore_mem>>) src(%arg7 : memref<48x1024xf32, #tpu.memory_space<vmem>>) dst(%dma_wait3A_272 : memref<48x1024xf32, #tpu.memory_space<hbm>>)
    %dma_wait3A_273 = arith.constant 1 : i32
    %dma_wait3A_274 = arith.constant 0 : i32
    %dma_wait3A_275 = tpu.memref_slice %arg4[%dma_wait3A_273, %add3A_240, %dma_wait3A_274] : memref<4x4096x1024xf32, #tpu.memory_space<hbm>> -> memref<1x48x1024xf32, #tpu.memory_space<hbm>>
    %dma_wait3A_276 = tpu.memref_squeeze %dma_wait3A_275 : memref<1x48x1024xf32, #tpu.memory_space<hbm>> -> memref<48x1024xf32, #tpu.memory_space<hbm>>
    %dma_wait3A_277 = arith.constant 0 : i32
    %dma_wait3A_278 = tpu.memref_slice %arg4[%dma_wait3A_273, %add3A_240, %dma_wait3A_277] : memref<4x4096x1024xf32, #tpu.memory_space<hbm>> -> memref<1x48x1024xf32, #tpu.memory_space<hbm>>
    %dma_wait3A_279 = tpu.memref_squeeze %dma_wait3A_278 : memref<1x48x1024xf32, #tpu.memory_space<hbm>> -> memref<48x1024xf32, #tpu.memory_space<hbm>>
    tpu.wait_dma2 semaphore(%arg11 : memref<!tpu.dma_semaphore, #tpu.memory_space<semaphore_mem>>) src(%arg7 : memref<48x1024xf32, #tpu.memory_space<vmem>>) dst(%dma_wait3A_279 : memref<48x1024xf32, #tpu.memory_space<hbm>>)
    %dma_wait3A_280 = arith.constant 2 : i32
    %dma_wait3A_281 = arith.constant 0 : i32
    %dma_wait3A_282 = tpu.memref_slice %arg4[%dma_wait3A_280, %add3A_249, %dma_wait3A_281] : memref<4x4096x1024xf32, #tpu.memory_space<hbm>> -> memref<1x48x1024xf32, #tpu.memory_space<hbm>>
    %dma_wait3A_283 = tpu.memref_squeeze %dma_wait3A_282 : memref<1x48x1024xf32, #tpu.memory_space<hbm>> -> memref<48x1024xf32, #tpu.memory_space<hbm>>
    %dma_wait3A_284 = arith.constant 0 : i32
    %dma_wait3A_285 = tpu.memref_slice %arg4[%dma_wait3A_280, %add3A_249, %dma_wait3A_284] : memref<4x4096x1024xf32, #tpu.memory_space<hbm>> -> memref<1x48x1024xf32, #tpu.memory_space<hbm>>
    %dma_wait3A_286 = tpu.memref_squeeze %dma_wait3A_285 : memref<1x48x1024xf32, #tpu.memory_space<hbm>> -> memref<48x1024xf32, #tpu.memory_space<hbm>>
    tpu.wait_dma2 semaphore(%arg11 : memref<!tpu.dma_semaphore, #tpu.memory_space<semaphore_mem>>) src(%arg7 : memref<48x1024xf32, #tpu.memory_space<vmem>>) dst(%dma_wait3A_286 : memref<48x1024xf32, #tpu.memory_space<hbm>>)
    %dma_wait3A_287 = arith.constant 3 : i32
    %dma_wait3A_288 = arith.constant 0 : i32
    %dma_wait3A_289 = tpu.memref_slice %arg4[%dma_wait3A_287, %add3A_258, %dma_wait3A_288] : memref<4x4096x1024xf32, #tpu.memory_space<hbm>> -> memref<1x48x1024xf32, #tpu.memory_space<hbm>>
    %dma_wait3A_290 = tpu.memref_squeeze %dma_wait3A_289 : memref<1x48x1024xf32, #tpu.memory_space<hbm>> -> memref<48x1024xf32, #tpu.memory_space<hbm>>
    %dma_wait3A_291 = arith.constant 0 : i32
    %dma_wait3A_292 = tpu.memref_slice %arg4[%dma_wait3A_287, %add3A_258, %dma_wait3A_291] : memref<4x4096x1024xf32, #tpu.memory_space<hbm>> -> memref<1x48x1024xf32, #tpu.memory_space<hbm>>
    %dma_wait3A_293 = tpu.memref_squeeze %dma_wait3A_292 : memref<1x48x1024xf32, #tpu.memory_space<hbm>> -> memref<48x1024xf32, #tpu.memory_space<hbm>>
    tpu.wait_dma2 semaphore(%arg11 : memref<!tpu.dma_semaphore, #tpu.memory_space<semaphore_mem>>) src(%arg7 : memref<48x1024xf32, #tpu.memory_space<vmem>>) dst(%dma_wait3A_293 : memref<48x1024xf32, #tpu.memory_space<hbm>>)
    %dma_start3A_294 = arith.constant 0 : i32
    %dma_start3A_295 = arith.constant 0 : i32
    %dma_start3A_296 = tpu.memref_slice %arg7[%dma_start3A_294, %dma_start3A_295] : memref<48x1024xf32, #tpu.memory_space<vmem>> -> memref<32x1024xf32, #tpu.memory_space<vmem>>
    %dma_start3A_297 = arith.constant 96 : i32
    %dma_start3A_298 = tpu.memref_slice %arg6[%dma_start3A_297] : memref<128xi32, #tpu.memory_space<vmem>> -> memref<32xi32, #tpu.memory_space<vmem>>
    %dma_start3A_299 = arith.constant 0 : i32
    %dma_start3A_300 = arith.constant 0 : i32
    %dma_start3A_301 = tpu.memref_slice %arg3[%dma_start3A_299, %dma_start3A_300] : memref<8192x1024xf32, #tpu.memory_space<hbm>> -> memref<8192x1024xf32, #tpu.memory_space<hbm>>
    tpu.enqueue_indirect_dma source(%dma_start3A_301 : memref<8192x1024xf32, #tpu.memory_space<hbm>>) target(%dma_start3A_296 : memref<32x1024xf32, #tpu.memory_space<vmem>>) offsets(%dma_start3A_298 : memref<32xi32, #tpu.memory_space<vmem>>) semaphore(%arg9 : memref<!tpu.dma_semaphore, #tpu.memory_space<semaphore_mem>>)
    %dma_wait3A_302 = arith.constant 48 : i32
    %dma_wait3A_303 = tpu.memref_slice %arg6[%dma_wait3A_302] : memref<128xi32, #tpu.memory_space<vmem>> -> memref<48xi32, #tpu.memory_space<vmem>>
    %dma_wait3A_304 = arith.constant 0 : i32
    %dma_wait3A_305 = arith.constant 0 : i32
    %dma_wait3A_306 = tpu.memref_slice %arg3[%dma_wait3A_304, %dma_wait3A_305] : memref<8192x1024xf32, #tpu.memory_space<hbm>> -> memref<8192x1024xf32, #tpu.memory_space<hbm>>
    tpu.wait_indirect_dma semaphore(%arg10 : memref<!tpu.dma_semaphore, #tpu.memory_space<semaphore_mem>>) src(%dma_wait3A_306 : memref<8192x1024xf32, #tpu.memory_space<hbm>>) dst(%arg8 : memref<48x1024xf32, #tpu.memory_space<vmem>>)
    %add3A_307 = arith.constant 48 : i32
    %add3A_308 = arith.addi %mul3A_2, %add3A_307 : i32
    %dma_start3A_309 = arith.constant 0 : i32
    %dma_start3A_310 = arith.constant 0 : i32
    %dma_start3A_311 = tpu.memref_slice %arg4[%dma_start3A_309, %add3A_308, %dma_start3A_310] : memref<4x4096x1024xf32, #tpu.memory_space<hbm>> -> memref<1x48x1024xf32, #tpu.memory_space<hbm>>
    %dma_start3A_312 = tpu.memref_squeeze %dma_start3A_311 : memref<1x48x1024xf32, #tpu.memory_space<hbm>> -> memref<48x1024xf32, #tpu.memory_space<hbm>>
    %dma_start3A_313 = arith.constant 0 : i32
    %dma_start3A_314 = tpu.memref_slice %arg4[%dma_start3A_309, %add3A_308, %dma_start3A_313] : memref<4x4096x1024xf32, #tpu.memory_space<hbm>> -> memref<1x48x1024xf32, #tpu.memory_space<hbm>>
    %dma_start3A_315 = tpu.memref_squeeze %dma_start3A_314 : memref<1x48x1024xf32, #tpu.memory_space<hbm>> -> memref<48x1024xf32, #tpu.memory_space<hbm>>
    tpu.enqueue_dma source(%arg8 : memref<48x1024xf32, #tpu.memory_space<vmem>>) target(%dma_start3A_315 : memref<48x1024xf32, #tpu.memory_space<hbm>>) target_semaphore(%arg12 : memref<!tpu.dma_semaphore, #tpu.memory_space<semaphore_mem>>)
    %add3A_316 = arith.constant 48 : i32
    %add3A_317 = arith.addi %mul3A_2, %add3A_316 : i32
    %dma_start3A_318 = arith.constant 1 : i32
    %dma_start3A_319 = arith.constant 0 : i32
    %dma_start3A_320 = tpu.memref_slice %arg4[%dma_start3A_318, %add3A_317, %dma_start3A_319] : memref<4x4096x1024xf32, #tpu.memory_space<hbm>> -> memref<1x48x1024xf32, #tpu.memory_space<hbm>>
    %dma_start3A_321 = tpu.memref_squeeze %dma_start3A_320 : memref<1x48x1024xf32, #tpu.memory_space<hbm>> -> memref<48x1024xf32, #tpu.memory_space<hbm>>
    %dma_start3A_322 = arith.constant 0 : i32
    %dma_start3A_323 = tpu.memref_slice %arg4[%dma_start3A_318, %add3A_317, %dma_start3A_322] : memref<4x4096x1024xf32, #tpu.memory_space<hbm>> -> memref<1x48x1024xf32, #tpu.memory_space<hbm>>
    %dma_start3A_324 = tpu.memref_squeeze %dma_start3A_323 : memref<1x48x1024xf32, #tpu.memory_space<hbm>> -> memref<48x1024xf32, #tpu.memory_space<hbm>>
    tpu.enqueue_dma source(%arg8 : memref<48x1024xf32, #tpu.memory_space<vmem>>) target(%dma_start3A_324 : memref<48x1024xf32, #tpu.memory_space<hbm>>) target_semaphore(%arg12 : memref<!tpu.dma_semaphore, #tpu.memory_space<semaphore_mem>>)
    %add3A_325 = arith.constant 48 : i32
    %add3A_326 = arith.addi %mul3A_2, %add3A_325 : i32
    %dma_start3A_327 = arith.constant 2 : i32
    %dma_start3A_328 = arith.constant 0 : i32
    %dma_start3A_329 = tpu.memref_slice %arg4[%dma_start3A_327, %add3A_326, %dma_start3A_328] : memref<4x4096x1024xf32, #tpu.memory_space<hbm>> -> memref<1x48x1024xf32, #tpu.memory_space<hbm>>
    %dma_start3A_330 = tpu.memref_squeeze %dma_start3A_329 : memref<1x48x1024xf32, #tpu.memory_space<hbm>> -> memref<48x1024xf32, #tpu.memory_space<hbm>>
    %dma_start3A_331 = arith.constant 0 : i32
    %dma_start3A_332 = tpu.memref_slice %arg4[%dma_start3A_327, %add3A_326, %dma_start3A_331] : memref<4x4096x1024xf32, #tpu.memory_space<hbm>> -> memref<1x48x1024xf32, #tpu.memory_space<hbm>>
    %dma_start3A_333 = tpu.memref_squeeze %dma_start3A_332 : memref<1x48x1024xf32, #tpu.memory_space<hbm>> -> memref<48x1024xf32, #tpu.memory_space<hbm>>
    tpu.enqueue_dma source(%arg8 : memref<48x1024xf32, #tpu.memory_space<vmem>>) target(%dma_start3A_333 : memref<48x1024xf32, #tpu.memory_space<hbm>>) target_semaphore(%arg12 : memref<!tpu.dma_semaphore, #tpu.memory_space<semaphore_mem>>)
    %add3A_334 = arith.constant 48 : i32
    %add3A_335 = arith.addi %mul3A_2, %add3A_334 : i32
    %dma_start3A_336 = arith.constant 3 : i32
    %dma_start3A_337 = arith.constant 0 : i32
    %dma_start3A_338 = tpu.memref_slice %arg4[%dma_start3A_336, %add3A_335, %dma_start3A_337] : memref<4x4096x1024xf32, #tpu.memory_space<hbm>> -> memref<1x48x1024xf32, #tpu.memory_space<hbm>>
    %dma_start3A_339 = tpu.memref_squeeze %dma_start3A_338 : memref<1x48x1024xf32, #tpu.memory_space<hbm>> -> memref<48x1024xf32, #tpu.memory_space<hbm>>
    %dma_start3A_340 = arith.constant 0 : i32
    %dma_start3A_341 = tpu.memref_slice %arg4[%dma_start3A_336, %add3A_335, %dma_start3A_340] : memref<4x4096x1024xf32, #tpu.memory_space<hbm>> -> memref<1x48x1024xf32, #tpu.memory_space<hbm>>
    %dma_start3A_342 = tpu.memref_squeeze %dma_start3A_341 : memref<1x48x1024xf32, #tpu.memory_space<hbm>> -> memref<48x1024xf32, #tpu.memory_space<hbm>>
    tpu.enqueue_dma source(%arg8 : memref<48x1024xf32, #tpu.memory_space<vmem>>) target(%dma_start3A_342 : memref<48x1024xf32, #tpu.memory_space<hbm>>) target_semaphore(%arg12 : memref<!tpu.dma_semaphore, #tpu.memory_space<semaphore_mem>>)
    %dma_wait3A_343 = arith.constant 0 : i32
    %dma_wait3A_344 = arith.constant 0 : i32
    %dma_wait3A_345 = tpu.memref_slice %arg7[%dma_wait3A_343, %dma_wait3A_344] : memref<48x1024xf32, #tpu.memory_space<vmem>> -> memref<32x1024xf32, #tpu.memory_space<vmem>>
    %dma_wait3A_346 = arith.constant 96 : i32
    %dma_wait3A_347 = tpu.memref_slice %arg6[%dma_wait3A_346] : memref<128xi32, #tpu.memory_space<vmem>> -> memref<32xi32, #tpu.memory_space<vmem>>
    %dma_wait3A_348 = arith.constant 0 : i32
    %dma_wait3A_349 = arith.constant 0 : i32
    %dma_wait3A_350 = tpu.memref_slice %arg3[%dma_wait3A_348, %dma_wait3A_349] : memref<8192x1024xf32, #tpu.memory_space<hbm>> -> memref<8192x1024xf32, #tpu.memory_space<hbm>>
    tpu.wait_indirect_dma semaphore(%arg9 : memref<!tpu.dma_semaphore, #tpu.memory_space<semaphore_mem>>) src(%dma_wait3A_350 : memref<8192x1024xf32, #tpu.memory_space<hbm>>) dst(%dma_wait3A_345 : memref<32x1024xf32, #tpu.memory_space<vmem>>)
    %add3A_351 = arith.constant 96 : i32
    %add3A_352 = arith.addi %mul3A_2, %add3A_351 : i32
    %dma_start3A_353 = arith.constant 0 : i32
    %dma_start3A_354 = arith.constant 0 : i32
    %dma_start3A_355 = arith.constant 0 : i32
    %dma_start3A_356 = tpu.memref_slice %arg7[%dma_start3A_354, %dma_start3A_355] : memref<48x1024xf32, #tpu.memory_space<vmem>> -> memref<32x1024xf32, #tpu.memory_space<vmem>>
    %dma_start3A_357 = arith.constant 0 : i32
    %dma_start3A_358 = tpu.memref_slice %arg4[%dma_start3A_353, %add3A_352, %dma_start3A_357] : memref<4x4096x1024xf32, #tpu.memory_space<hbm>> -> memref<1x32x1024xf32, #tpu.memory_space<hbm>>
    %dma_start3A_359 = tpu.memref_squeeze %dma_start3A_358 : memref<1x32x1024xf32, #tpu.memory_space<hbm>> -> memref<32x1024xf32, #tpu.memory_space<hbm>>
    %dma_start3A_360 = arith.constant 0 : i32
    %dma_start3A_361 = tpu.memref_slice %arg4[%dma_start3A_353, %add3A_352, %dma_start3A_360] : memref<4x4096x1024xf32, #tpu.memory_space<hbm>> -> memref<1x32x1024xf32, #tpu.memory_space<hbm>>
    %dma_start3A_362 = tpu.memref_squeeze %dma_start3A_361 : memref<1x32x1024xf32, #tpu.memory_space<hbm>> -> memref<32x1024xf32, #tpu.memory_space<hbm>>
    %dma_start3A_363 = arith.constant 0 : i32
    %dma_start3A_364 = arith.constant 0 : i32
    %dma_start3A_365 = tpu.memref_slice %arg7[%dma_start3A_363, %dma_start3A_364] : memref<48x1024xf32, #tpu.memory_space<vmem>> -> memref<32x1024xf32, #tpu.memory_space<vmem>>
    tpu.enqueue_dma source(%dma_start3A_365 : memref<32x1024xf32, #tpu.memory_space<vmem>>) target(%dma_start3A_362 : memref<32x1024xf32, #tpu.memory_space<hbm>>) target_semaphore(%arg11 : memref<!tpu.dma_semaphore, #tpu.memory_space<semaphore_mem>>)
    %add3A_366 = arith.constant 96 : i32
    %add3A_367 = arith.addi %mul3A_2, %add3A_366 : i32
    %dma_start3A_368 = arith.constant 1 : i32
    %dma_start3A_369 = arith.constant 0 : i32
    %dma_start3A_370 = arith.constant 0 : i32
    %dma_start3A_371 = tpu.memref_slice %arg7[%dma_start3A_369, %dma_start3A_370] : memref<48x1024xf32, #tpu.memory_space<vmem>> -> memref<32x1024xf32, #tpu.memory_space<vmem>>
    %dma_start3A_372 = arith.constant 0 : i32
    %dma_start3A_373 = tpu.memref_slice %arg4[%dma_start3A_368, %add3A_367, %dma_start3A_372] : memref<4x4096x1024xf32, #tpu.memory_space<hbm>> -> memref<1x32x1024xf32, #tpu.memory_space<hbm>>
    %dma_start3A_374 = tpu.memref_squeeze %dma_start3A_373 : memref<1x32x1024xf32, #tpu.memory_space<hbm>> -> memref<32x1024xf32, #tpu.memory_space<hbm>>
    %dma_start3A_375 = arith.constant 0 : i32
    %dma_start3A_376 = tpu.memref_slice %arg4[%dma_start3A_368, %add3A_367, %dma_start3A_375] : memref<4x4096x1024xf32, #tpu.memory_space<hbm>> -> memref<1x32x1024xf32, #tpu.memory_space<hbm>>
    %dma_start3A_377 = tpu.memref_squeeze %dma_start3A_376 : memref<1x32x1024xf32, #tpu.memory_space<hbm>> -> memref<32x1024xf32, #tpu.memory_space<hbm>>
    %dma_start3A_378 = arith.constant 0 : i32
    %dma_start3A_379 = arith.constant 0 : i32
    %dma_start3A_380 = tpu.memref_slice %arg7[%dma_start3A_378, %dma_start3A_379] : memref<48x1024xf32, #tpu.memory_space<vmem>> -> memref<32x1024xf32, #tpu.memory_space<vmem>>
    tpu.enqueue_dma source(%dma_start3A_380 : memref<32x1024xf32, #tpu.memory_space<vmem>>) target(%dma_start3A_377 : memref<32x1024xf32, #tpu.memory_space<hbm>>) target_semaphore(%arg11 : memref<!tpu.dma_semaphore, #tpu.memory_space<semaphore_mem>>)
    %add3A_381 = arith.constant 96 : i32
    %add3A_382 = arith.addi %mul3A_2, %add3A_381 : i32
    %dma_start3A_383 = arith.constant 2 : i32
    %dma_start3A_384 = arith.constant 0 : i32
    %dma_start3A_385 = arith.constant 0 : i32
    %dma_start3A_386 = tpu.memref_slice %arg7[%dma_start3A_384, %dma_start3A_385] : memref<48x1024xf32, #tpu.memory_space<vmem>> -> memref<32x1024xf32, #tpu.memory_space<vmem>>
    %dma_start3A_387 = arith.constant 0 : i32
    %dma_start3A_388 = tpu.memref_slice %arg4[%dma_start3A_383, %add3A_382, %dma_start3A_387] : memref<4x4096x1024xf32, #tpu.memory_space<hbm>> -> memref<1x32x1024xf32, #tpu.memory_space<hbm>>
    %dma_start3A_389 = tpu.memref_squeeze %dma_start3A_388 : memref<1x32x1024xf32, #tpu.memory_space<hbm>> -> memref<32x1024xf32, #tpu.memory_space<hbm>>
    %dma_start3A_390 = arith.constant 0 : i32
    %dma_start3A_391 = tpu.memref_slice %arg4[%dma_start3A_383, %add3A_382, %dma_start3A_390] : memref<4x4096x1024xf32, #tpu.memory_space<hbm>> -> memref<1x32x1024xf32, #tpu.memory_space<hbm>>
    %dma_start3A_392 = tpu.memref_squeeze %dma_start3A_391 : memref<1x32x1024xf32, #tpu.memory_space<hbm>> -> memref<32x1024xf32, #tpu.memory_space<hbm>>
    %dma_start3A_393 = arith.constant 0 : i32
    %dma_start3A_394 = arith.constant 0 : i32
    %dma_start3A_395 = tpu.memref_slice %arg7[%dma_start3A_393, %dma_start3A_394] : memref<48x1024xf32, #tpu.memory_space<vmem>> -> memref<32x1024xf32, #tpu.memory_space<vmem>>
    tpu.enqueue_dma source(%dma_start3A_395 : memref<32x1024xf32, #tpu.memory_space<vmem>>) target(%dma_start3A_392 : memref<32x1024xf32, #tpu.memory_space<hbm>>) target_semaphore(%arg11 : memref<!tpu.dma_semaphore, #tpu.memory_space<semaphore_mem>>)
    %add3A_396 = arith.constant 96 : i32
    %add3A_397 = arith.addi %mul3A_2, %add3A_396 : i32
    %dma_start3A_398 = arith.constant 3 : i32
    %dma_start3A_399 = arith.constant 0 : i32
    %dma_start3A_400 = arith.constant 0 : i32
    %dma_start3A_401 = tpu.memref_slice %arg7[%dma_start3A_399, %dma_start3A_400] : memref<48x1024xf32, #tpu.memory_space<vmem>> -> memref<32x1024xf32, #tpu.memory_space<vmem>>
    %dma_start3A_402 = arith.constant 0 : i32
    %dma_start3A_403 = tpu.memref_slice %arg4[%dma_start3A_398, %add3A_397, %dma_start3A_402] : memref<4x4096x1024xf32, #tpu.memory_space<hbm>> -> memref<1x32x1024xf32, #tpu.memory_space<hbm>>
    %dma_start3A_404 = tpu.memref_squeeze %dma_start3A_403 : memref<1x32x1024xf32, #tpu.memory_space<hbm>> -> memref<32x1024xf32, #tpu.memory_space<hbm>>
    %dma_start3A_405 = arith.constant 0 : i32
    %dma_start3A_406 = tpu.memref_slice %arg4[%dma_start3A_398, %add3A_397, %dma_start3A_405] : memref<4x4096x1024xf32, #tpu.memory_space<hbm>> -> memref<1x32x1024xf32, #tpu.memory_space<hbm>>
    %dma_start3A_407 = tpu.memref_squeeze %dma_start3A_406 : memref<1x32x1024xf32, #tpu.memory_space<hbm>> -> memref<32x1024xf32, #tpu.memory_space<hbm>>
    %dma_start3A_408 = arith.constant 0 : i32
    %dma_start3A_409 = arith.constant 0 : i32
    %dma_start3A_410 = tpu.memref_slice %arg7[%dma_start3A_408, %dma_start3A_409] : memref<48x1024xf32, #tpu.memory_space<vmem>> -> memref<32x1024xf32, #tpu.memory_space<vmem>>
    tpu.enqueue_dma source(%dma_start3A_410 : memref<32x1024xf32, #tpu.memory_space<vmem>>) target(%dma_start3A_407 : memref<32x1024xf32, #tpu.memory_space<hbm>>) target_semaphore(%arg11 : memref<!tpu.dma_semaphore, #tpu.memory_space<semaphore_mem>>)
    %dma_wait3A_411 = arith.constant 0 : i32
    %dma_wait3A_412 = arith.constant 0 : i32
    %dma_wait3A_413 = arith.constant 0 : i32
    %dma_wait3A_414 = tpu.memref_slice %arg7[%dma_wait3A_412, %dma_wait3A_413] : memref<48x1024xf32, #tpu.memory_space<vmem>> -> memref<32x1024xf32, #tpu.memory_space<vmem>>
    %dma_wait3A_415 = arith.constant 0 : i32
    %dma_wait3A_416 = tpu.memref_slice %arg4[%dma_wait3A_411, %add3A_352, %dma_wait3A_415] : memref<4x4096x1024xf32, #tpu.memory_space<hbm>> -> memref<1x32x1024xf32, #tpu.memory_space<hbm>>
    %dma_wait3A_417 = tpu.memref_squeeze %dma_wait3A_416 : memref<1x32x1024xf32, #tpu.memory_space<hbm>> -> memref<32x1024xf32, #tpu.memory_space<hbm>>
    %dma_wait3A_418 = arith.constant 0 : i32
    %dma_wait3A_419 = tpu.memref_slice %arg4[%dma_wait3A_411, %add3A_352, %dma_wait3A_418] : memref<4x4096x1024xf32, #tpu.memory_space<hbm>> -> memref<1x32x1024xf32, #tpu.memory_space<hbm>>
    %dma_wait3A_420 = tpu.memref_squeeze %dma_wait3A_419 : memref<1x32x1024xf32, #tpu.memory_space<hbm>> -> memref<32x1024xf32, #tpu.memory_space<hbm>>
    %dma_wait3A_421 = arith.constant 0 : i32
    %dma_wait3A_422 = arith.constant 0 : i32
    %dma_wait3A_423 = tpu.memref_slice %arg7[%dma_wait3A_421, %dma_wait3A_422] : memref<48x1024xf32, #tpu.memory_space<vmem>> -> memref<32x1024xf32, #tpu.memory_space<vmem>>
    tpu.wait_dma2 semaphore(%arg11 : memref<!tpu.dma_semaphore, #tpu.memory_space<semaphore_mem>>) src(%dma_wait3A_423 : memref<32x1024xf32, #tpu.memory_space<vmem>>) dst(%dma_wait3A_420 : memref<32x1024xf32, #tpu.memory_space<hbm>>)
    %dma_wait3A_424 = arith.constant 1 : i32
    %dma_wait3A_425 = arith.constant 0 : i32
    %dma_wait3A_426 = arith.constant 0 : i32
    %dma_wait3A_427 = tpu.memref_slice %arg7[%dma_wait3A_425, %dma_wait3A_426] : memref<48x1024xf32, #tpu.memory_space<vmem>> -> memref<32x1024xf32, #tpu.memory_space<vmem>>
    %dma_wait3A_428 = arith.constant 0 : i32
    %dma_wait3A_429 = tpu.memref_slice %arg4[%dma_wait3A_424, %add3A_367, %dma_wait3A_428] : memref<4x4096x1024xf32, #tpu.memory_space<hbm>> -> memref<1x32x1024xf32, #tpu.memory_space<hbm>>
    %dma_wait3A_430 = tpu.memref_squeeze %dma_wait3A_429 : memref<1x32x1024xf32, #tpu.memory_space<hbm>> -> memref<32x1024xf32, #tpu.memory_space<hbm>>
    %dma_wait3A_431 = arith.constant 0 : i32
    %dma_wait3A_432 = tpu.memref_slice %arg4[%dma_wait3A_424, %add3A_367, %dma_wait3A_431] : memref<4x4096x1024xf32, #tpu.memory_space<hbm>> -> memref<1x32x1024xf32, #tpu.memory_space<hbm>>
    %dma_wait3A_433 = tpu.memref_squeeze %dma_wait3A_432 : memref<1x32x1024xf32, #tpu.memory_space<hbm>> -> memref<32x1024xf32, #tpu.memory_space<hbm>>
    %dma_wait3A_434 = arith.constant 0 : i32
    %dma_wait3A_435 = arith.constant 0 : i32
    %dma_wait3A_436 = tpu.memref_slice %arg7[%dma_wait3A_434, %dma_wait3A_435] : memref<48x1024xf32, #tpu.memory_space<vmem>> -> memref<32x1024xf32, #tpu.memory_space<vmem>>
    tpu.wait_dma2 semaphore(%arg11 : memref<!tpu.dma_semaphore, #tpu.memory_space<semaphore_mem>>) src(%dma_wait3A_436 : memref<32x1024xf32, #tpu.memory_space<vmem>>) dst(%dma_wait3A_433 : memref<32x1024xf32, #tpu.memory_space<hbm>>)
    %dma_wait3A_437 = arith.constant 2 : i32
    %dma_wait3A_438 = arith.constant 0 : i32
    %dma_wait3A_439 = arith.constant 0 : i32
    %dma_wait3A_440 = tpu.memref_slice %arg7[%dma_wait3A_438, %dma_wait3A_439] : memref<48x1024xf32, #tpu.memory_space<vmem>> -> memref<32x1024xf32, #tpu.memory_space<vmem>>
    %dma_wait3A_441 = arith.constant 0 : i32
    %dma_wait3A_442 = tpu.memref_slice %arg4[%dma_wait3A_437, %add3A_382, %dma_wait3A_441] : memref<4x4096x1024xf32, #tpu.memory_space<hbm>> -> memref<1x32x1024xf32, #tpu.memory_space<hbm>>
    %dma_wait3A_443 = tpu.memref_squeeze %dma_wait3A_442 : memref<1x32x1024xf32, #tpu.memory_space<hbm>> -> memref<32x1024xf32, #tpu.memory_space<hbm>>
    %dma_wait3A_444 = arith.constant 0 : i32
    %dma_wait3A_445 = tpu.memref_slice %arg4[%dma_wait3A_437, %add3A_382, %dma_wait3A_444] : memref<4x4096x1024xf32, #tpu.memory_space<hbm>> -> memref<1x32x1024xf32, #tpu.memory_space<hbm>>
    %dma_wait3A_446 = tpu.memref_squeeze %dma_wait3A_445 : memref<1x32x1024xf32, #tpu.memory_space<hbm>> -> memref<32x1024xf32, #tpu.memory_space<hbm>>
    %dma_wait3A_447 = arith.constant 0 : i32
    %dma_wait3A_448 = arith.constant 0 : i32
    %dma_wait3A_449 = tpu.memref_slice %arg7[%dma_wait3A_447, %dma_wait3A_448] : memref<48x1024xf32, #tpu.memory_space<vmem>> -> memref<32x1024xf32, #tpu.memory_space<vmem>>
    tpu.wait_dma2 semaphore(%arg11 : memref<!tpu.dma_semaphore, #tpu.memory_space<semaphore_mem>>) src(%dma_wait3A_449 : memref<32x1024xf32, #tpu.memory_space<vmem>>) dst(%dma_wait3A_446 : memref<32x1024xf32, #tpu.memory_space<hbm>>)
    %dma_wait3A_450 = arith.constant 3 : i32
    %dma_wait3A_451 = arith.constant 0 : i32
    %dma_wait3A_452 = arith.constant 0 : i32
    %dma_wait3A_453 = tpu.memref_slice %arg7[%dma_wait3A_451, %dma_wait3A_452] : memref<48x1024xf32, #tpu.memory_space<vmem>> -> memref<32x1024xf32, #tpu.memory_space<vmem>>
    %dma_wait3A_454 = arith.constant 0 : i32
    %dma_wait3A_455 = tpu.memref_slice %arg4[%dma_wait3A_450, %add3A_397, %dma_wait3A_454] : memref<4x4096x1024xf32, #tpu.memory_space<hbm>> -> memref<1x32x1024xf32, #tpu.memory_space<hbm>>
    %dma_wait3A_456 = tpu.memref_squeeze %dma_wait3A_455 : memref<1x32x1024xf32, #tpu.memory_space<hbm>> -> memref<32x1024xf32, #tpu.memory_space<hbm>>
    %dma_wait3A_457 = arith.constant 0 : i32
    %dma_wait3A_458 = tpu.memref_slice %arg4[%dma_wait3A_450, %add3A_397, %dma_wait3A_457] : memref<4x4096x1024xf32, #tpu.memory_space<hbm>> -> memref<1x32x1024xf32, #tpu.memory_space<hbm>>
    %dma_wait3A_459 = tpu.memref_squeeze %dma_wait3A_458 : memref<1x32x1024xf32, #tpu.memory_space<hbm>> -> memref<32x1024xf32, #tpu.memory_space<hbm>>
    %dma_wait3A_460 = arith.constant 0 : i32
    %dma_wait3A_461 = arith.constant 0 : i32
    %dma_wait3A_462 = tpu.memref_slice %arg7[%dma_wait3A_460, %dma_wait3A_461] : memref<48x1024xf32, #tpu.memory_space<vmem>> -> memref<32x1024xf32, #tpu.memory_space<vmem>>
    tpu.wait_dma2 semaphore(%arg11 : memref<!tpu.dma_semaphore, #tpu.memory_space<semaphore_mem>>) src(%dma_wait3A_462 : memref<32x1024xf32, #tpu.memory_space<vmem>>) dst(%dma_wait3A_459 : memref<32x1024xf32, #tpu.memory_space<hbm>>)
    %dma_wait3A_463 = arith.constant 0 : i32
    %dma_wait3A_464 = arith.constant 0 : i32
    %dma_wait3A_465 = tpu.memref_slice %arg4[%dma_wait3A_463, %add3A_308, %dma_wait3A_464] : memref<4x4096x1024xf32, #tpu.memory_space<hbm>> -> memref<1x48x1024xf32, #tpu.memory_space<hbm>>
    %dma_wait3A_466 = tpu.memref_squeeze %dma_wait3A_465 : memref<1x48x1024xf32, #tpu.memory_space<hbm>> -> memref<48x1024xf32, #tpu.memory_space<hbm>>
    %dma_wait3A_467 = arith.constant 0 : i32
    %dma_wait3A_468 = tpu.memref_slice %arg4[%dma_wait3A_463, %add3A_308, %dma_wait3A_467] : memref<4x4096x1024xf32, #tpu.memory_space<hbm>> -> memref<1x48x1024xf32, #tpu.memory_space<hbm>>
    %dma_wait3A_469 = tpu.memref_squeeze %dma_wait3A_468 : memref<1x48x1024xf32, #tpu.memory_space<hbm>> -> memref<48x1024xf32, #tpu.memory_space<hbm>>
    tpu.wait_dma2 semaphore(%arg12 : memref<!tpu.dma_semaphore, #tpu.memory_space<semaphore_mem>>) src(%arg8 : memref<48x1024xf32, #tpu.memory_space<vmem>>) dst(%dma_wait3A_469 : memref<48x1024xf32, #tpu.memory_space<hbm>>)
    %dma_wait3A_470 = arith.constant 1 : i32
    %dma_wait3A_471 = arith.constant 0 : i32
    %dma_wait3A_472 = tpu.memref_slice %arg4[%dma_wait3A_470, %add3A_317, %dma_wait3A_471] : memref<4x4096x1024xf32, #tpu.memory_space<hbm>> -> memref<1x48x1024xf32, #tpu.memory_space<hbm>>
    %dma_wait3A_473 = tpu.memref_squeeze %dma_wait3A_472 : memref<1x48x1024xf32, #tpu.memory_space<hbm>> -> memref<48x1024xf32, #tpu.memory_space<hbm>>
    %dma_wait3A_474 = arith.constant 0 : i32
    %dma_wait3A_475 = tpu.memref_slice %arg4[%dma_wait3A_470, %add3A_317, %dma_wait3A_474] : memref<4x4096x1024xf32, #tpu.memory_space<hbm>> -> memref<1x48x1024xf32, #tpu.memory_space<hbm>>
    %dma_wait3A_476 = tpu.memref_squeeze %dma_wait3A_475 : memref<1x48x1024xf32, #tpu.memory_space<hbm>> -> memref<48x1024xf32, #tpu.memory_space<hbm>>
    tpu.wait_dma2 semaphore(%arg12 : memref<!tpu.dma_semaphore, #tpu.memory_space<semaphore_mem>>) src(%arg8 : memref<48x1024xf32, #tpu.memory_space<vmem>>) dst(%dma_wait3A_476 : memref<48x1024xf32, #tpu.memory_space<hbm>>)
    %dma_wait3A_477 = arith.constant 2 : i32
    %dma_wait3A_478 = arith.constant 0 : i32
    %dma_wait3A_479 = tpu.memref_slice %arg4[%dma_wait3A_477, %add3A_326, %dma_wait3A_478] : memref<4x4096x1024xf32, #tpu.memory_space<hbm>> -> memref<1x48x1024xf32, #tpu.memory_space<hbm>>
    %dma_wait3A_480 = tpu.memref_squeeze %dma_wait3A_479 : memref<1x48x1024xf32, #tpu.memory_space<hbm>> -> memref<48x1024xf32, #tpu.memory_space<hbm>>
    %dma_wait3A_481 = arith.constant 0 : i32
    %dma_wait3A_482 = tpu.memref_slice %arg4[%dma_wait3A_477, %add3A_326, %dma_wait3A_481] : memref<4x4096x1024xf32, #tpu.memory_space<hbm>> -> memref<1x48x1024xf32, #tpu.memory_space<hbm>>
    %dma_wait3A_483 = tpu.memref_squeeze %dma_wait3A_482 : memref<1x48x1024xf32, #tpu.memory_space<hbm>> -> memref<48x1024xf32, #tpu.memory_space<hbm>>
    tpu.wait_dma2 semaphore(%arg12 : memref<!tpu.dma_semaphore, #tpu.memory_space<semaphore_mem>>) src(%arg8 : memref<48x1024xf32, #tpu.memory_space<vmem>>) dst(%dma_wait3A_483 : memref<48x1024xf32, #tpu.memory_space<hbm>>)
    %dma_wait3A_484 = arith.constant 3 : i32
    %dma_wait3A_485 = arith.constant 0 : i32
    %dma_wait3A_486 = tpu.memref_slice %arg4[%dma_wait3A_484, %add3A_335, %dma_wait3A_485] : memref<4x4096x1024xf32, #tpu.memory_space<hbm>> -> memref<1x48x1024xf32, #tpu.memory_space<hbm>>
    %dma_wait3A_487 = tpu.memref_squeeze %dma_wait3A_486 : memref<1x48x1024xf32, #tpu.memory_space<hbm>> -> memref<48x1024xf32, #tpu.memory_space<hbm>>
    %dma_wait3A_488 = arith.constant 0 : i32
    %dma_wait3A_489 = tpu.memref_slice %arg4[%dma_wait3A_484, %add3A_335, %dma_wait3A_488] : memref<4x4096x1024xf32, #tpu.memory_space<hbm>> -> memref<1x48x1024xf32, #tpu.memory_space<hbm>>
    %dma_wait3A_490 = tpu.memref_squeeze %dma_wait3A_489 : memref<1x48x1024xf32, #tpu.memory_space<hbm>> -> memref<48x1024xf32, #tpu.memory_space<hbm>>
    tpu.wait_dma2 semaphore(%arg12 : memref<!tpu.dma_semaphore, #tpu.memory_space<semaphore_mem>>) src(%arg8 : memref<48x1024xf32, #tpu.memory_space<vmem>>) dst(%dma_wait3A_490 : memref<48x1024xf32, #tpu.memory_space<hbm>>)
    return
  }
}

</mosaic_0001>

<sc_bundles>
// kernel: kernel.3.cloned.1.call-start
scs
__scs_entry_jumppad:
0x0: {  	(pc) =	sbr.rel $0x88, $3  }
0x1: {  	(tag) =	ssettag $0x0;
	lr =	simm.s32 $0x1  }
0x2: {  	[smem:$0x3F9F] =	sst lr;
	_ =	strace $0xD0000000  }
0x3: {  	_ = 	snop  }
0x4: {  	_ = 	snop  }
0x5: {  	_ = 	snop  }
0x6: {  	_ = 	snop  }
0x7: {  	_ = 	snop  }
__scs_overlays_trampoline_lowered:
0x8: {  	[smem:$0x3FAE] =	sst s0  }
0x9: {  	[smem:$0x3FAF] =	sst s1  }
0xa: {  	[smem:$0x3FB0] =	sst s2  }
0xb: {  	[smem:$0x3FB1] =	sst s3  }
0xc: {  	[smem:$0x3FB2] =	sst s4  }
0xd: {  	[smem:$0x3FB3] =	sst s5  }
0xe: {  	[smem:$0x3FB4] =	sst s6  }
0xf: {  	[smem:$0x3FB5] =	sst s7  }
0x10: {  	[smem:$0x3FB6] =	sst s8  }
0x11: {  	[smem:$0x3FB7] =	sst s9;
	s0 =	simm.s32 @!p0 $0x0  }
0x12: {  	s1 =	sld [smem:$0x3F9D];
	s0 =	simm.s32 @p0 $0x1  }
0x13: {  	[smem:$0x3FB8] =	sst s0;
	s0 =	simm.s32 @!p1 $0x0  }
0x14: {  	s2 =	sld [smem:$0x3F9C];
	s0 =	simm.s32 @p1 $0x1  }
0x15: {  	[smem:$0x3FB9] =	sst s0;
	s0 =	simm.s32 @!p2 $0x0  }
0x16: {  	s3 =	sld [smem:$0x3FDB];
	s0 =	simm.s32 @p2 $0x1  }
0x17: {  	s4 =	simm.s32 $0x1BF5;
	[smem:$0x3FBB] =	sst s0  }
0x18: {  	s0 =	sld [smem:$0x3F9E];
	_ =	swait.ge [sflag:s4], $0x0  }
0x19: {  	s7 =	sld [smem:$0x3F9F]  }
0x1a: {  	s8 =	sadd.s32 $0xFFFFE003, lr  }
0x1b: {  	s9 =	sadd.s32 $0xFFFFFEF7, lr;
	s5 =	simm.s32 $0xFFFFFFFF;
	p2 =	slt.u32 s8, $0xFFFFF086  }
0x1c: {  	p1 =	slt.u32 s9, $0xF7A;
	s5 =	simm.s32 @!p2 $0x0  }
0x1d: {  	s5 =	simm.s32 @p1 $0x1;
	p0 =	seq.s32 s7, s2  }
0x1e: {  	s7 =	smul.u32 @!p0 $0xF7A, s2;
	p2 =	seq.s32 @!p0 s5, $0x0  }
0x1f: {  	s9 =	smul.u32 $0xF7A, s1;
	s8 =	simm.s32 @!p0 $0x1BF5;
	p2 =	por !p2, p0  }
0x20: {  	[sflag:s8] =	ssyncset.s32 @!p0 $0xFFFFF086;
	s6 =	sadd.s32 @!p0 s3, s7;
	s7 =	simm.s32 @!p0 $0x108  }
0x21: {  	s3 =	sadd.s32 s3, s9;
	s6 =	sadd.s32 @!p0 $0x88, s6;
	s7 =	simm.s32 @p2 $0x1082  }
0x22: {  	[simem:s7], [sflag:s8] =	dma.local @!p0 [hbm:s6], $0xF7A  }
0x23: {  	s9 =	sor.u32 $0xD0000000, s2;
	s6 =	simm.s32 $0x108;
	_ =	swait.ge @!p0 [sflag:s8], $0x0  }
0x24: {  	s3 =	sadd.s32 $0x88, s3;
	s6 =	simm.s32 @!p1 $0x1082;
	[sflag:s4] =	ssyncset.s32 $0xFFFFF086  }
0x25: {  	[simem:s6], [sflag:s4] =	dma.local [hbm:s3], $0xF7A  }
0x26: {  	[smem:$0x3F9F] =	sst s1;
	(tag) =	ssettag s2;
	_ =	strace s9  }
0x27: {  	s1 =	sld [smem:$0x3FAF]  }
0x28: {  	s2 =	sld [smem:$0x3FB0]  }
0x29: {  	s4 =	sld [smem:$0x3FB2]  }
0x2a: {  	p0 =	seq.s32 s5, $0x0;
	s5 =	sld [smem:$0x3FB3]  }
0x2b: {  	s6 =	sld [smem:$0x3FB4]  }
0x2c: {  	s7 =	sld [smem:$0x3FB5]  }
0x2d: {  	s3 =	simm.s32 $0x108;
	s8 =	sld [smem:$0x3FB6]  }
0x2e: {  	s3 =	simm.s32 @!p0 $0x1082;
	s9 =	sld [smem:$0x3FB7]  }
0x2f: {  	lr =	sadd.s32 s0, s3;
	s0 =	sld [smem:$0x3FAE]  }
0x30: {  	s3 =	sld [smem:$0x3FB1]  }
0x31: {  	[smem:$0x3FBA] =	sst s10  }
0x32: {  	s10 =	sld [smem:$0x3FB8];
	_ =	sdelay $0x3  }
0x33: {  	p0 =	seq.s32 s10, $0x1;
	s10 =	sld [smem:$0x3FBA];
	_ =	sdelay $0x3  }
0x34: {  	[smem:$0x3FBA] =	sst s10  }
0x35: {  	s10 =	sld [smem:$0x3FB9];
	_ =	sdelay $0x3  }
0x36: {  	p1 =	seq.s32 s10, $0x1;
	s10 =	sld [smem:$0x3FBA];
	_ =	sdelay $0x3  }
0x37: {  	[smem:$0x3FBA] =	sst s10  }
0x38: {  	s10 =	sld [smem:$0x3FBB]  }
0x39: {  	_ = 	snop;
	(pc) =	sbr.ind lr, $3  }
0x3a: {  	_ = 	snop  }
0x3b: {  	_ = 	snop  }
0x3c: {  	p2 =	seq.s32 s10, $0x1;
	s10 =	sld [smem:$0x3FBA]  }
0x3d: {  	_ =	shalt  }
0x3e: {  	_ =	shalt  }
0x3f: {  	_ =	shalt  }
0x40: {  	_ =	shalt  }
0x41: {  	_ =	shalt  }
0x42: {  	_ =	shalt  }
0x43: {  	_ =	shalt  }
0x44: {  	_ =	shalt  }
0x45: {  	_ =	shalt  }
0x46: {  	_ =	shalt  }
0x47: {  	_ =	shalt  }
0x48: {  	_ =	shalt  }
0x49: {  	_ =	shalt  }
0x4a: {  	_ =	shalt  }
0x4b: {  	_ =	shalt  }
0x4c: {  	_ =	shalt  }
0x4d: {  	_ =	shalt  }
0x4e: {  	_ =	shalt  }
0x4f: {  	_ =	shalt  }
0x50: {  	_ =	shalt  }
0x51: {  	_ =	shalt  }
0x52: {  	_ =	shalt  }
0x53: {  	_ =	shalt  }
0x54: {  	_ =	shalt  }
0x55: {  	_ =	shalt  }
0x56: {  	_ =	shalt  }
0x57: {  	_ =	shalt  }
0x58: {  	_ =	shalt  }
0x59: {  	_ =	shalt  }
0x5a: {  	_ =	shalt  }
0x5b: {  	_ =	shalt  }
0x5c: {  	_ =	shalt  }
0x5d: {  	_ =	shalt  }
0x5e: {  	_ =	shalt  }
0x5f: {  	_ =	shalt  }
0x60: {  	_ =	shalt  }
0x61: {  	_ =	shalt  }
0x62: {  	_ =	shalt  }
0x63: {  	_ =	shalt  }
0x64: {  	_ =	shalt  }
0x65: {  	_ =	shalt  }
0x66: {  	_ =	shalt  }
0x67: {  	_ =	shalt  }
0x68: {  	_ =	shalt  }
0x69: {  	_ =	shalt  }
0x6a: {  	_ =	shalt  }
0x6b: {  	_ =	shalt  }
0x6c: {  	_ =	shalt  }
0x6d: {  	_ =	shalt  }
0x6e: {  	_ =	shalt  }
0x6f: {  	_ =	shalt  }
0x70: {  	_ =	shalt  }
0x71: {  	_ =	shalt  }
0x72: {  	_ =	shalt  }
0x73: {  	_ =	shalt  }
0x74: {  	_ =	shalt  }
0x75: {  	_ =	shalt  }
0x76: {  	_ =	shalt  }
0x77: {  	_ =	shalt  }
0x78: {  	_ =	shalt  }
0x79: {  	_ =	shalt  }
0x7a: {  	_ =	shalt  }
0x7b: {  	_ =	shalt  }
0x7c: {  	_ =	shalt  }
0x7d: {  	_ =	shalt  }
0x7e: {  	_ =	shalt  }
0x7f: {  	_ =	shalt  }
0x80: {  	_ =	shalt  }
0x81: {  	_ =	shalt  }
0x82: {  	_ =	shalt  }
0x83: {  	_ =	shalt  }
0x84: {  	_ =	shalt  }
0x85: {  	_ =	shalt  }
0x86: {  	_ =	shalt  }
0x87: {  	_ =	shalt  }
.Lfunc_end0:
.L_simem_size_0:
called_computation_lowered:
.L_overlay_start_0:
0x88: {  	s2 =	sld [smem:$0x3FD9]  }
0x89: {  	s3 =	sld [smem:$0x3FFE];
	_ =	sdelay $0x1  }
0x8a: {  	s1 =	srdreg.scid  }
0x8b: {  	s0 =	sand.u32 $0x1, s1  }
0x8c: {  	s18 =	sshll.u32 s0, $0xA;
	s2 =	sadd.s32 s3, s2  }
0x8d: {  	s2 =	sadd.s32 s2, s18  }
0x8e: {  	[smem:$0x3FC6] =	sst s2  }
0x8f: {  	_ = 	snop  }
0x90: {  	s2 =	sld [smem:$0x3FC9]  }
0x91: {  	s19 =	sld [smem:$0x3FC8]  }
0x92: {  	s4 =	sld [smem:$0x3FD0];
	(tm) =	ssettm $0x1  }
0x93: {  	s5 =	sld [smem:$0x3FFB];
	_ =	sdelay $0x3  }
0x94: {  	_ =	strace s5  }
0x95: {  	s5 =	sld [smem:$0x3FFC];
	_ =	sdelay $0x3  }
0x96: {  	_ =	strace s5  }
0x97: {  	s5 =	sld [smem:$0x3FFD];
	_ =	sdelay $0x3  }
0x98: {  	_ =	strace s5  }
0x99: {  	_ =	strace $0x8FFFFFFF  }
0x9a: {  	s20 =	sld [smem:$0x3FDB];
	_ =	sdelay $0x1  }
0x9b: {  	s6 =	simm.s32 $_scs_section_size  }
0x9c: {  	s7 =	simm.s32 $_size__tile_overlayer_lowered;
	s8 =	simm.s32 $_tile_overlayer_lowered  }
0x9d: {  	s23 =	simm.s32 $0x1BFF;
	s22 =	sshll.u32 s8, $0x1;
	s5 =	sadd.s32 s6, s20  }
0x9e: {  	s9 =	simm.s32 $0x0;
	s21 =	sshll.u32 s7, $0x1;
	s7 =	sadd.s32 s22, s5  }
0x9f: {  	[timem:s9], [sflag:s23] =	dma.local [hbm:s7], s21  }
0xa0: {  	_ =	swait.ge [sflag:s23], s21  }
0xa1: {  	s6 =	ssub.s32 $0x0, s21;
	[sflag:s23] =	ssyncset.done $0x0  }
0xa2: {  	[sflag:s23] =	ssyncadd.s32 s6;
	_ =	sdelay $0x1  }
0xa3: {  	s24 =	simm.s32 $0x1B8B  }
0xa4: {  	_ =	swait.ge [sflag:s24], $0x1  }
0xa5: {  	[sflag:s24] =	ssyncset.done $0x0  }
0xa6: {  	s25 =	simm.s32 $0x1B8E;
	[sflag:s24] =	ssyncadd.s32 $0xFFFFFFFF  }
0xa7: {  	s26 =	simm.s32 $execute0_lowered;
	[smem:$0x3FD2] =	sst s25  }
0xa8: {  	s6 =	sshll.u32 s26, $0x1;
	_ =	strace $0x80000046;
	[dreg:$0x1] =	wrdreg $0xFFFFFFFF  }
0xa9: {  	s28 =	simm.s32 $_size_execute0_lowered;
	s5 =	sadd.s32 s5, s6;
	[dreg:$0x0] =	wrdreg $0x0  }
0xaa: {  	s6 =	sshll.u32 s28, $0x1;
	[dreg:$0x2] =	wrdreg s5  }
0xab: {  	[dreg:$0x3] =	wrdreg s6  }
0xac: {  	[dreg:$0x4] =	wrdreg $0xC0  }
0xad: {  	_ =	task [dreg:s9], $0x5FFFF  }
0xae: {  	[dreg:$0x1] =	wrdreg $0xFFFFFFFF  }
0xaf: {  	[dreg:$0x0] =	wrdreg $0x60  }
0xb0: {  	[dreg:$0x2] =	wrdreg s2  }
0xb1: {  	[dreg:$0x3] =	wrdreg s19  }
0xb2: {  	[dreg:$0x4] =	wrdreg s4  }
0xb3: {  	[dreg:$0x5] =	wrdreg $0x9  }
0xb4: {  	_ =	task.clear_ibuf [dreg:s9], $0x6FFFF;
	_ =	strace $0x90000046  }
0xb5: {  	s29 =	simm.s32 $0x9;
	_ =	strace $0x80000048  }
0xb6: {  	_ =	swait.ge [sflag:s29], $0x1  }
0xb7: {  	[sflag:s29] =	ssyncadd.s32 $0xFFFFFFFF  }
0xb8: {  	_ =	strace $0x90000048  }
0xb9: {  	_ =	sfence  }
0xba: {  	s30 =	sld [smem:$0x0];
	_ =	sdelay $0x2  }
0xbb: {  	s31 =	sshll.u32 s1, $0xD;
	s1 =	sshrl.u32 s1, $0x2  }
0xbc: {  	s3 =	sand.u32 $0x4000, s31;
	s1 =	sadd.s32 s1, s30  }
0xbd: {  	s0 =	sor.u32 s3, s0;
	s1 =	sshll.u32 s1, $0x11  }
0xbe: {  	s0 =	sor.u32 s1, s0  }
0xbf: {  	s0 =	sadd.s32 $0x8F2B, s0  }
0xc0: {  	[sflag:s0] =	ssyncadd.remote.s32 $0x1  }
0xc1: {  	_ =	sfence.sel $0xFFFF  }
0xc2: {  	[dreg:$0x0] =	wrdreg $0xFFFFFFFF;
	(pc) =	sbr.abs _section_cstart, $3  }
0xc3: {  	[dreg:$0x1] =	wrdreg $0xFFFFFFFF  }
0xc4: {  	_ =	task.clear_ibuf [dreg:s9], $0x2FFFF;
	_ =	strace $0x9FFFFFFF  }
0xc5: {  	(tm) =	ssettm $0x7FFFFFFF  }
tec
execute0_lowered:
.L_overlay_start_1:
0x0: {  	(tag) =	ssettag $0x1  }
0x1: {  	s0 =	rddreg [dreg:$0x0]  }
0x2: {  	s2 =	rddreg [dreg:$0x1]  }
0x3: {  	s4 =	rddreg [dreg:$0x2]  }
0x4: {  	s23 =	srdreg.scid;
	s1 =	stileid.u32;
	s3 =	simm.s32 $0x0  }
0x5: {  	s19 =	simm.s32 $0x8100;
	s20 =	simm.s32 $0x8900;
	s22 =	simm.s32 $0x9100  }
0x6: {  	s29 =	simm.s32 $0x1;
	s30 =	simm.s32 $0x3;
	[dreg:$0x4] =	wrdreg s0  }
0x7: {  	s31 =	simm.s32 $0x2;
	s5 =	sand.u32 $0x1, s23;
	[smem:$0x7FF] =	sst s3  }
0x8: {  	s24 =	sshll.u32 s1, $0x8;
	_ =	strace $0x80000047;
	[dreg:$0x11] =	wrdreg s19  }
0x9: {  	s8 =	sadd.s32 $0x80000, s4;
	s9 =	sadd.s32 $0x100000, s4;
	[dreg:$0x12] =	wrdreg s20  }
0xa: {  	s23 =	simm.s32 $0x9900;
	s6 =	sshll.u32 s5, $0x7;
	[dreg:$0x13] =	wrdreg s22  }
0xb: {  	[dreg:$0x14] =	wrdreg s23;
	s19 =	simm.s32 $0x11900;
	s21 =	sor.u32 s6, s24  }
0xc: {  	s20 =	simm.s32 $0x12100;
	[smem:$0x7F3] =	sst s19;
	s6 =	sshll.u32 s21, $0x7  }
0xd: {  	s10 =	sadd.s32 $0x180000, s4;
	[smem:$0x7F4] =	sst s20;
	s7 =	sadd.s32 s4, s6  }
0xe: {  	s5 =	ssub.s32 $0x2, s5;
	s25 =	sadd.s32 s6, s8;
	[dreg:$0x5] =	wrdreg s7  }
0xf: {  	s0 =	sor.u32 $0x30, s21;
	s26 =	sadd.s32 s6, s9;
	[dreg:$0x6] =	wrdreg s25  }
0x10: {  	s6 =	sadd.s32 s6, s10;
	s1 =	sshll.u32 s0, $0x7;
	[dreg:$0x7] =	wrdreg s26  }
0x11: {  	s19 =	simm.s32 $0x5100;
	[dreg:$0x8] =	wrdreg s6;
	s11 =	sadd.s32 s4, s1  }
0x12: {  	s20 =	simm.s32 $0x5900;
	s12 =	sadd.s32 s1, s8;
	[dreg:$0x9] =	wrdreg s11  }
0x13: {  	s24 =	sor.u32 $0x60, s21;
	s13 =	sadd.s32 s1, s9;
	[dreg:$0xa] =	wrdreg s12  }
0x14: {  	s15 =	sshll.u32 s24, $0x7;
	s14 =	sadd.s32 s1, s10;
	[dreg:$0xb] =	wrdreg s13  }
0x15: {  	s22 =	sor.u32 $0x10, s21;
	s4 =	sadd.s32 s4, s15;
	[dreg:$0xc] =	wrdreg s14  }
0x16: {  	s23 =	sor.u32 $0x20, s21;
	s16 =	sadd.s32 s15, s8;
	[dreg:$0xd] =	wrdreg s4  }
0x17: {  	v12 =	vlaneseq.u32;
	s28 =	sor.u32 $0x70, s21;
	s17 =	sadd.s32 s15, s9;
	[dreg:$0xe] =	wrdreg s16  }
0x18: {  	v1 =	vor.u32 s22, v12;
	s22 =	simm.s32 $0x6900;
	s18 =	sadd.s32 s15, s10;
	[dreg:$0xf] =	wrdreg s17  }
0x19: {  	v2 =	vor.u32 s23, v12;
	s23 =	simm.s32 $0x7100;
	s25 =	simm.s32 $0xA100;
	[dreg:$0x10] =	wrdreg s18  }
0x1a: {  	v6 =	vor.u32 s24, v12;
	s24 =	simm.s32 $0x7900;
	s26 =	simm.s32 $0xA900;
	[dreg:$0x15] =	wrdreg s25  }
0x1b: {  	v7 =	vor.u32 s28, v12;
	s28 =	simm.s32 $0x17900;
	s1 =	simm.s32 $0xB100;
	[dreg:$0x16] =	wrdreg s26  }
0x1c: {  	v3 =	vor.u32 s0, v12;
	s0 =	simm.s32 $0x4;
	s6 =	simm.s32 $0xB900;
	[dreg:$0x17] =	wrdreg s1  }
0x1d: {  	s7 =	sshrl.u32 s5, $0x1;
	s8 =	simm.s32 $0xC900;
	[dreg:$0x18] =	wrdreg s6  }
0x1e: {  	s10 =	simm.s32 $0xD100;
	s15 =	simm.s32 $0xF900;
	[dreg:$0x19] =	wrdreg s8  }
0x1f: {  	s9 =	ssub.s32 s5, s7;
	[dreg:$0x1a] =	wrdreg s10;
	s11 =	simm.s32 $0xD900  }
0x20: {  	s12 =	simm.s32 $0xE100;
	s4 =	sadd.s32 $0x100, s2;
	[dreg:$0x1f] =	wrdreg s15  }
0x21: {  	s13 =	simm.s32 $0xE900;
	s5 =	sadd.s32 $0x200, s2;
	[dreg:$0x1b] =	wrdreg s11  }
0x22: {  	s14 =	simm.s32 $0xF100;
	s6 =	sadd.s32 $0x300, s2;
	[dreg:$0x1c] =	wrdreg s12  }
0x23: {  	s25 =	sor.u32 $0x40, s21;
	s16 =	simm.s32 $0x10100;
	[dreg:$0x1d] =	wrdreg s13  }
0x24: {  	s26 =	sor.u32 $0x50, s21;
	s17 =	simm.s32 $0x10900;
	[dreg:$0x1e] =	wrdreg s14  }
0x25: {  	s18 =	simm.s32 $0x11100;
	s8 =	simm.s32 $0x5;
	[smem:$0x7F0] =	sst s16  }
0x26: {  	s10 =	simm.s32 $0x900;
	s15 =	simm.s32 $0x14900;
	[smem:$0x7F1] =	sst s17  }
0x27: {  	v0 =	vor.u32 s21, v12;
	s21 =	simm.s32 $0x6100;
	s1 =	simm.s32 $0x16100;
	[smem:$0x7F2] =	sst s18  }
0x28: {  	s7 =	smax.u32 s9, $0x1;
	s9 =	simm.s32 $0x100;
	[smem:$0x7F9] =	sst s15  }
0x29: {  	s11 =	simm.s32 $0x12900;
	s12 =	simm.s32 $0x13100;
	[smem:$0x7FC] =	sst s1  }
0x2a: {  	s13 =	simm.s32 $0x13900;
	s14 =	simm.s32 $0x14100;
	[smem:$0x7F5] =	sst s11  }
0x2b: {  	s16 =	simm.s32 $0x15100;
	s15 =	simm.s32 $0x3100;
	[smem:$0x7F6] =	sst s12  }
0x2c: {  	s17 =	simm.s32 $0x15900;
	s18 =	simm.s32 $0x4900;
	[smem:$0x7F7] =	sst s13  }
0x2d: {  	v4 =	vor.u32 s25, v12;
	v5 =	vor.u32 s26, v12;
	s26 =	simm.s32 $0x16900;
	s25 =	simm.s32 $0xC100;
	[smem:$0x7F8] =	sst s14  }
0x2e: {  	v8 =	vimm.s32 $0x0;
	s11 =	simm.s32 $0x1100;
	s12 =	simm.s32 $0x1900;
	[smem:$0x7FA] =	sst s16  }
0x2f: {  	v9 =	vimm.s32 $0x1;
	vm0 =	vmmov $0xffff;
	v11 =	vshrl.u32 v12, $0x3;
	s13 =	simm.s32 $0x2100;
	s14 =	simm.s32 $0x2900;
	[smem:$0x7FB] =	sst s17  }
0x30: {  	v10 =	vand.u32 $0x7, v12;
	v11 =	vmul.u32 $0x8, v11;
	v12 =	vor.u32 $0x8, v12;
	s16 =	simm.s32 $0x3900;
	s17 =	simm.s32 $0x4100;
	[smem:$0x7FD] =	sst s26  }
.LBB2_1:
0x31: {  	s1 =	rddreg [dreg:$0x4]  }
0x32: {  	[tilespmem:s3], [sflag:$0x5] =	stream.linear.gather [hbm4b:s1+s3], $0x2, $0x38;
	[tilespmem:$0x18100] =	vst v63  }
0x33: {  	_ =	swait.ge [sflag:s8], $0x2  }
0x34: {  	[sflag:s8] =	ssyncset.done $0x0  }
0x35: {  	[sflag:s8] =	ssyncadd.s32 $0xFFFFFFFE  }
0x36: {  	v13 =	vld [tilespmem:$0x0];
	_ =	sdelay $0x4  }
0x37: {  	v14 =	vperm.xlane v13, v8;
	v13 =	vperm.xlane v13, v9;
	_ =	sdelay $0x1  }
0x38: {  	v13 =	vadd.s32 v13, v14  }
0x39: {  	v13 =	vadd.s32 $0xFFFFEFFC, v13  }
0x3a: {  	v14 =	vadd.s32 v0, v13  }
0x3b: {  	v15 =	vshrl.u32 v14, $0x12  }
0x3c: {  	v15 =	vand.u32 $0x2000, v15  }
0x3d: {  	v14 =	vadd.s32 v14, v15  }
0x3e: {  	vm1 =	vgt.s32 v14, $0x0  }
0x3f: {  	v14 =	vnsel vm1, $0x0, v14  }
0x40: {  	v14 =	vmin.u32 v14, $0x1FFF  }
0x41: {  	v15 =	vshll.u32 v14, $0x3  }
0x42: {  	v16 =	vadd.s32 v1, v13;
	v17 =	vand.u32 $0x7, v14;
	v15 =	vand.u32 $0xFFC0, v15  }
0x43: {  	v19 =	vadd.s32 v2, v13;
	v18 =	vshrl.u32 v16, $0x12;
	v15 =	vor.u32 v17, v15  }
0x44: {  	v47 =	vshrl.u32 v19, $0x12;
	v46 =	vand.u32 $0x2000, v18;
	v20 =	vperm.xlane v15, v10  }
0x45: {  	v48 =	vand.u32 $0x2000, v47;
	v16 =	vadd.s32 v16, v46  }
0x46: {  	vm1 =	vgt.s32 v16, $0x0;
	v17 =	vadd.s32 v19, v48;
	v49 =	vadd.s32 v11, v20  }
0x47: {  	v16 =	vnsel vm1, $0x0, v16;
	vm1 =	vgt.s32 v17, $0x0  }
0x48: {  	[tilespmem:$0x80] =	vst v14;
	v14 =	vmin.u32 v16, $0x1FFF;
	v50 =	vnsel vm1, $0x0, v17  }
0x49: {  	[tilespmem:$0x90] =	vst v14;
	v14 =	vmin.u32 v50, $0x1FFF  }
0x4a: {  	[tilespmem:$0xA0] =	vst v14  }
0x4b: {  	[tilespmem:s9], [sflag:$0x1] =	stream.indirect_vreg.gather [hbm4b:s2+s3], $0x80, v49, vm0, $0xb8;
	[tilespmem:$0x18100] =	vst v63  }
0x4c: {  	v14 =	vperm.xlane v15, v12  }
0x4d: {  	[tilespmem:s10], [sflag:$0x1] =	stream.indirect_vreg.gather [hbm4b:s4+s3], $0x80, v49, vm0, $0xb8;
	[tilespmem:$0x18100] =	vst v63  }
0x4e: {  	v14 =	vadd.s32 v11, v14  }
0x4f: {  	[tilespmem:s11], [sflag:$0x1] =	stream.indirect_vreg.gather [hbm4b:s5+s3], $0x80, v49, vm0, $0xb8;
	[tilespmem:$0x18100] =	vst v63  }
0x50: {  	_ = 	snop  }
0x51: {  	[tilespmem:s12], [sflag:$0x1] =	stream.indirect_vreg.gather [hbm4b:s6+s3], $0x80, v49, vm0, $0xb8;
	[tilespmem:$0x18100] =	vst v63  }
0x52: {  	_ = 	snop  }
0x53: {  	[tilespmem:s13], [sflag:$0x1] =	stream.indirect_vreg.gather [hbm4b:s2+s3], $0x80, v14, vm0, $0xb8;
	[tilespmem:$0x18100] =	vst v63  }
0x54: {  	_ = 	snop  }
0x55: {  	[tilespmem:s14], [sflag:$0x1] =	stream.indirect_vreg.gather [hbm4b:s4+s3], $0x80, v14, vm0, $0xb8;
	[tilespmem:$0x18100] =	vst v63  }
0x56: {  	_ = 	snop  }
0x57: {  	[tilespmem:s15], [sflag:$0x1] =	stream.indirect_vreg.gather [hbm4b:s5+s3], $0x80, v14, vm0, $0xb8;
	[tilespmem:$0x18100] =	vst v63  }
0x58: {  	_ = 	snop  }
0x59: {  	[tilespmem:s16], [sflag:$0x1] =	stream.indirect_vreg.gather [hbm4b:s6+s3], $0x80, v14, vm0, $0xb8;
	[tilespmem:$0x18100] =	vst v63  }
0x5a: {  	v14 =	vld [tilespmem:$0x90];
	_ =	sdelay $0x4  }
0x5b: {  	v15 =	vshll.u32 v14, $0x3  }
0x5c: {  	v14 =	vand.u32 $0x7, v14;
	v15 =	vand.u32 $0xFFFFFFC0, v15  }
0x5d: {  	v14 =	vor.u32 v14, v15  }
0x5e: {  	v15 =	vperm.xlane v14, v10;
	_ =	sdelay $0x1  }
0x5f: {  	v15 =	vadd.s32 v11, v15;
	_ =	sdelay $0x4  }
0x60: {  	[tilespmem:s17], [sflag:$0x1] =	stream.indirect_vreg.gather [hbm4b:s2+s3], $0x80, v15, vm0, $0xb8;
	[tilespmem:$0x18100] =	vst v63  }
0x61: {  	v14 =	vperm.xlane v14, v12  }
0x62: {  	[tilespmem:s18], [sflag:$0x1] =	stream.indirect_vreg.gather [hbm4b:s4+s3], $0x80, v15, vm0, $0xb8;
	[tilespmem:$0x18100] =	vst v63  }
0x63: {  	v14 =	vadd.s32 v11, v14  }
0x64: {  	[tilespmem:s19], [sflag:$0x1] =	stream.indirect_vreg.gather [hbm4b:s5+s3], $0x80, v15, vm0, $0xb8;
	[tilespmem:$0x18100] =	vst v63  }
0x65: {  	_ = 	snop  }
0x66: {  	[tilespmem:s20], [sflag:$0x1] =	stream.indirect_vreg.gather [hbm4b:s6+s3], $0x80, v15, vm0, $0xb8;
	[tilespmem:$0x18100] =	vst v63  }
0x67: {  	_ = 	snop  }
0x68: {  	[tilespmem:s21], [sflag:$0x1] =	stream.indirect_vreg.gather [hbm4b:s2+s3], $0x80, v14, vm0, $0xb8;
	[tilespmem:$0x18100] =	vst v63  }
0x69: {  	_ = 	snop  }
0x6a: {  	[tilespmem:s22], [sflag:$0x1] =	stream.indirect_vreg.gather [hbm4b:s4+s3], $0x80, v14, vm0, $0xb8;
	[tilespmem:$0x18100] =	vst v63  }
0x6b: {  	_ = 	snop  }
0x6c: {  	[tilespmem:s23], [sflag:$0x1] =	stream.indirect_vreg.gather [hbm4b:s5+s3], $0x80, v14, vm0, $0xb8;
	[tilespmem:$0x18100] =	vst v63  }
0x6d: {  	_ = 	snop  }
0x6e: {  	[tilespmem:s24], [sflag:$0x1] =	stream.indirect_vreg.gather [hbm4b:s6+s3], $0x80, v14, vm0, $0xb8;
	[tilespmem:$0x18100] =	vst v63  }
0x6f: {  	v14 =	vld [tilespmem:$0xA0];
	_ =	sdelay $0x4  }
0x70: {  	v15 =	vshll.u32 v14, $0x3  }
0x71: {  	v14 =	vand.u32 $0x7, v14;
	v15 =	vand.u32 $0xFFFFFFC0, v15  }
0x72: {  	v14 =	vor.u32 v14, v15  }
0x73: {  	v15 =	vperm.xlane v14, v10;
	_ =	sdelay $0x1  }
0x74: {  	v15 =	vadd.s32 v11, v15;
	_ =	sdelay $0x3  }
0x75: {  	s1 =	rddreg [dreg:$0x11]  }
0x76: {  	[tilespmem:s1], [sflag:$0x1] =	stream.indirect_vreg.gather [hbm4b:s2+s3], $0x80, v15, vm0, $0xb8;
	[tilespmem:$0x18100] =	vst v63  }
0x77: {  	s26 =	rddreg [dreg:$0x12];
	v14 =	vperm.xlane v14, v12  }
0x78: {  	v51 =	vadd.s32 v3, v13;
	[tilespmem:s26], [sflag:$0x1] =	stream.indirect_vreg.gather [hbm4b:s4+s3], $0x80, v15, vm0, $0xb8;
	[tilespmem:$0x18100] =	vst v63  }
0x79: {  	v52 =	vshrl.u32 v51, $0x12;
	v14 =	vadd.s32 v11, v14;
	s1 =	rddreg [dreg:$0x13]  }
0x7a: {  	v17 =	vand.u32 $0x2000, v52;
	[tilespmem:s1], [sflag:$0x1] =	stream.indirect_vreg.gather [hbm4b:s5+s3], $0x80, v15, vm0, $0xb8;
	[tilespmem:$0x18100] =	vst v63  }
0x7b: {  	v53 =	vadd.s32 v4, v13;
	v16 =	vadd.s32 v51, v17;
	s26 =	rddreg [dreg:$0x14]  }
0x7c: {  	v55 =	vadd.s32 v5, v13;
	v57 =	vadd.s32 v6, v13;
	vm1 =	vgt.s32 v16, $0x0;
	[tilespmem:s26], [sflag:$0x1] =	stream.indirect_vreg.gather [hbm4b:s6+s3], $0x80, v15, vm0, $0xb8;
	[tilespmem:$0x18100] =	vst v63  }
0x7d: {  	v13 =	vadd.s32 v7, v13;
	v54 =	vshrl.u32 v53, $0x12;
	v16 =	vnsel vm1, $0x0, v16;
	s1 =	rddreg [dreg:$0x15]  }
0x7e: {  	v56 =	vshrl.u32 v55, $0x12;
	v58 =	vshrl.u32 v57, $0x12;
	v16 =	vmin.u32 v16, $0x1FFF;
	[tilespmem:s1], [sflag:$0x1] =	stream.indirect_vreg.gather [hbm4b:s2+s3], $0x80, v14, vm0, $0xb8;
	[tilespmem:$0x18100] =	vst v63  }
0x7f: {  	v60 =	vshrl.u32 v13, $0x12;
	v18 =	vand.u32 $0x2000, v56;
	v59 =	vshll.u32 v16, $0x3;
	s26 =	rddreg [dreg:$0x16]  }
0x80: {  	v61 =	vand.u32 $0x2000, v60;
	v21 =	vand.u32 $0x7, v16;
	v20 =	vand.u32 $0xFFC0, v59;
	[tilespmem:s26], [sflag:$0x1] =	stream.indirect_vreg.gather [hbm4b:s4+s3], $0x80, v14, vm0, $0xb8;
	[tilespmem:$0x18100] =	vst v63  }
0x81: {  	v17 =	vadd.s32 v55, v18;
	v20 =	vor.u32 v21, v20;
	v15 =	vand.u32 $0x2000, v54;
	s1 =	rddreg [dreg:$0x17]  }
0x82: {  	v18 =	vand.u32 $0x2000, v58;
	v62 =	vperm.xlane v20, v10;
	v15 =	vadd.s32 v53, v15;
	[tilespmem:s1], [sflag:$0x1] =	stream.indirect_vreg.gather [hbm4b:s5+s3], $0x80, v14, vm0, $0xb8;
	[tilespmem:$0x18100] =	vst v63  }
0x83: {  	v13 =	vadd.s32 v13, v61;
	v18 =	vadd.s32 v57, v18;
	vm1 =	vgt.s32 v15, $0x0;
	s26 =	rddreg [dreg:$0x18]  }
0x84: {  	v63 =	vadd.s32 v11, v62;
	v15 =	vnsel vm1, $0x0, v15;
	vm1 =	vgt.s32 v17, $0x0;
	[tilespmem:s26], [sflag:$0x1] =	stream.indirect_vreg.gather [hbm4b:s6+s3], $0x80, v14, vm0, $0xb8;
	[tilespmem:$0x18100] =	vst v63  }
0x85: {  	v14 =	vmin.u32 v15, $0x1FFF;
	v15 =	vnsel vm1, $0x0, v17;
	vm1 =	vgt.s32 v18, $0x0;
	[tilespmem:$0xB0] =	vst v16  }
0x86: {  	[tilespmem:$0xC0] =	vst v14;
	v14 =	vmin.u32 v15, $0x1FFF;
	v15 =	vnsel vm1, $0x0, v18;
	vm1 =	vgt.s32 v13, $0x0  }
0x87: {  	[tilespmem:$0xD0] =	vst v14;
	v13 =	vnsel vm1, $0x0, v13;
	v14 =	vmin.u32 v15, $0x1FFF  }
0x88: {  	[tilespmem:$0xE0] =	vst v14;
	v13 =	vmin.u32 v13, $0x1FFF  }
0x89: {  	[tilespmem:$0xF0] =	vst v13  }
0x8a: {  	[tilespmem:s25], [sflag:$0x2] =	stream.indirect_vreg.gather [hbm4b:s2+s3], $0x80, v63, vm0, $0xb8;
	[tilespmem:$0x18100] =	vst v63  }
0x8b: {  	s1 =	rddreg [dreg:$0x19];
	v13 =	vperm.xlane v20, v12  }
0x8c: {  	[tilespmem:s1], [sflag:$0x2] =	stream.indirect_vreg.gather [hbm4b:s4+s3], $0x80, v63, vm0, $0xb8;
	[tilespmem:$0x18100] =	vst v63  }
0x8d: {  	s26 =	rddreg [dreg:$0x1a];
	v13 =	vadd.s32 v11, v13  }
0x8e: {  	[tilespmem:s26], [sflag:$0x2] =	stream.indirect_vreg.gather [hbm4b:s5+s3], $0x80, v63, vm0, $0xb8;
	[tilespmem:$0x18100] =	vst v63  }
0x8f: {  	s1 =	rddreg [dreg:$0x1b]  }
0x90: {  	[tilespmem:s1], [sflag:$0x2] =	stream.indirect_vreg.gather [hbm4b:s6+s3], $0x80, v63, vm0, $0xb8;
	[tilespmem:$0x18100] =	vst v63  }
0x91: {  	s26 =	rddreg [dreg:$0x1c]  }
0x92: {  	[tilespmem:s26], [sflag:$0x2] =	stream.indirect_vreg.gather [hbm4b:s2+s3], $0x80, v13, vm0, $0xb8;
	[tilespmem:$0x18100] =	vst v63  }
0x93: {  	s1 =	rddreg [dreg:$0x1d]  }
0x94: {  	[tilespmem:s1], [sflag:$0x2] =	stream.indirect_vreg.gather [hbm4b:s4+s3], $0x80, v13, vm0, $0xb8;
	[tilespmem:$0x18100] =	vst v63  }
0x95: {  	s26 =	rddreg [dreg:$0x1e]  }
0x96: {  	[tilespmem:s26], [sflag:$0x2] =	stream.indirect_vreg.gather [hbm4b:s5+s3], $0x80, v13, vm0, $0xb8;
	[tilespmem:$0x18100] =	vst v63  }
0x97: {  	s1 =	rddreg [dreg:$0x1f]  }
0x98: {  	[tilespmem:s1], [sflag:$0x2] =	stream.indirect_vreg.gather [hbm4b:s6+s3], $0x80, v13, vm0, $0xb8;
	[tilespmem:$0x18100] =	vst v63  }
0x99: {  	v13 =	vld [tilespmem:$0xC0];
	_ =	sdelay $0x4  }
0x9a: {  	v14 =	vshll.u32 v13, $0x3  }
0x9b: {  	v13 =	vand.u32 $0x7, v13;
	v14 =	vand.u32 $0xFFFFFFC0, v14  }
0x9c: {  	v13 =	vor.u32 v13, v14  }
0x9d: {  	v14 =	vperm.xlane v13, v10;
	_ =	sdelay $0x1  }
0x9e: {  	v14 =	vadd.s32 v11, v14;
	_ =	sdelay $0x1  }
0x9f: {  	s1 =	sld [smem:$0x7F0];
	_ =	sdelay $0x1  }
0xa0: {  	s26 =	sld [smem:$0x7F1]  }
0xa1: {  	[tilespmem:s1], [sflag:$0x2] =	stream.indirect_vreg.gather [hbm4b:s2+s3], $0x80, v14, vm0, $0xb8;
	[tilespmem:$0x18100] =	vst v63  }
0xa2: {  	v13 =	vperm.xlane v13, v12;
	s1 =	sld [smem:$0x7F2]  }
0xa3: {  	[tilespmem:s26], [sflag:$0x2] =	stream.indirect_vreg.gather [hbm4b:s4+s3], $0x80, v14, vm0, $0xb8;
	[tilespmem:$0x18100] =	vst v63  }
0xa4: {  	v13 =	vadd.s32 v11, v13;
	s26 =	sld [smem:$0x7F3]  }
0xa5: {  	[tilespmem:s1], [sflag:$0x2] =	stream.indirect_vreg.gather [hbm4b:s5+s3], $0x80, v14, vm0, $0xb8;
	[tilespmem:$0x18100] =	vst v63  }
0xa6: {  	s1 =	sld [smem:$0x7F4]  }
0xa7: {  	[tilespmem:s26], [sflag:$0x2] =	stream.indirect_vreg.gather [hbm4b:s6+s3], $0x80, v14, vm0, $0xb8;
	[tilespmem:$0x18100] =	vst v63  }
0xa8: {  	s26 =	sld [smem:$0x7F5]  }
0xa9: {  	[tilespmem:s1], [sflag:$0x2] =	stream.indirect_vreg.gather [hbm4b:s2+s3], $0x80, v13, vm0, $0xb8;
	[tilespmem:$0x18100] =	vst v63  }
0xaa: {  	s1 =	sld [smem:$0x7F6]  }
0xab: {  	[tilespmem:s26], [sflag:$0x2] =	stream.indirect_vreg.gather [hbm4b:s4+s3], $0x80, v13, vm0, $0xb8;
	[tilespmem:$0x18100] =	vst v63  }
0xac: {  	s26 =	sld [smem:$0x7F7]  }
0xad: {  	[tilespmem:s1], [sflag:$0x2] =	stream.indirect_vreg.gather [hbm4b:s5+s3], $0x80, v13, vm0, $0xb8;
	[tilespmem:$0x18100] =	vst v63  }
0xae: {  	_ = 	snop  }
0xaf: {  	[tilespmem:s26], [sflag:$0x2] =	stream.indirect_vreg.gather [hbm4b:s6+s3], $0x80, v13, vm0, $0xb8;
	[tilespmem:$0x18100] =	vst v63  }
0xb0: {  	v13 =	vld [tilespmem:$0xD0];
	_ =	sdelay $0x4  }
0xb1: {  	v14 =	vshll.u32 v13, $0x3  }
0xb2: {  	v13 =	vand.u32 $0x7, v13;
	v14 =	vand.u32 $0xFFFFFFC0, v14  }
0xb3: {  	v13 =	vor.u32 v13, v14  }
0xb4: {  	v14 =	vperm.xlane v13, v10;
	_ =	sdelay $0x1  }
0xb5: {  	v14 =	vadd.s32 v11, v14;
	_ =	sdelay $0x1  }
0xb6: {  	s1 =	sld [smem:$0x7F8];
	_ =	sdelay $0x1  }
0xb7: {  	s26 =	sld [smem:$0x7F9]  }
0xb8: {  	[tilespmem:s1], [sflag:$0x2] =	stream.indirect_vreg.gather [hbm4b:s2+s3], $0x80, v14, vm0, $0xb8;
	[tilespmem:$0x18100] =	vst v63  }
0xb9: {  	v13 =	vperm.xlane v13, v12;
	s1 =	sld [smem:$0x7FA]  }
0xba: {  	[tilespmem:s26], [sflag:$0x2] =	stream.indirect_vreg.gather [hbm4b:s4+s3], $0x80, v14, vm0, $0xb8;
	[tilespmem:$0x18100] =	vst v63  }
0xbb: {  	v13 =	vadd.s32 v11, v13;
	s26 =	sld [smem:$0x7FB]  }
0xbc: {  	[tilespmem:s1], [sflag:$0x2] =	stream.indirect_vreg.gather [hbm4b:s5+s3], $0x80, v14, vm0, $0xb8;
	[tilespmem:$0x18100] =	vst v63  }
0xbd: {  	s1 =	sld [smem:$0x7FC]  }
0xbe: {  	[tilespmem:s26], [sflag:$0x2] =	stream.indirect_vreg.gather [hbm4b:s6+s3], $0x80, v14, vm0, $0xb8;
	[tilespmem:$0x18100] =	vst v63  }
0xbf: {  	s26 =	sld [smem:$0x7FD]  }
0xc0: {  	[tilespmem:s1], [sflag:$0x2] =	stream.indirect_vreg.gather [hbm4b:s2+s3], $0x80, v13, vm0, $0xb8;
	[tilespmem:$0x18100] =	vst v63  }
0xc1: {  	_ = 	snop  }
0xc2: {  	[tilespmem:s26], [sflag:$0x2] =	stream.indirect_vreg.gather [hbm4b:s4+s3], $0x80, v13, vm0, $0xb8;
	[tilespmem:$0x18100] =	vst v63  }
0xc3: {  	s26 =	simm.s32 $0x17100  }
0xc4: {  	[tilespmem:s26], [sflag:$0x2] =	stream.indirect_vreg.gather [hbm4b:s5+s3], $0x80, v13, vm0, $0xb8;
	[tilespmem:$0x18100] =	vst v63  }
0xc5: {  	_ = 	snop  }
0xc6: {  	[tilespmem:s28], [sflag:$0x2] =	stream.indirect_vreg.gather [hbm4b:s6+s3], $0x80, v13, vm0, $0xb8;
	[tilespmem:$0x18100] =	vst v63  }
0xc7: {  	_ =	swait.ge [sflag:s29], $0xC000  }
0xc8: {  	[sflag:s29] =	ssyncset.done $0x0  }
0xc9: {  	s1 =	rddreg [dreg:$0x5];
	[sflag:s29] =	ssyncadd.s32 $0xFFFF4000  }
0xca: {  	[hbm4b:s1+s3] =	stream.linear.scatter [tilespmem:s9], [sflag:$0x3], $0xC000, $0x38;
	[tilespmem:$0x18100] =	vst v63  }
0xcb: {  	s26 =	rddreg [dreg:$0x6]  }
0xcc: {  	[hbm4b:s26+s3] =	stream.linear.scatter [tilespmem:s9], [sflag:$0x3], $0xC000, $0x38;
	[tilespmem:$0x18100] =	vst v63  }
0xcd: {  	s1 =	rddreg [dreg:$0x7]  }
0xce: {  	[hbm4b:s1+s3] =	stream.linear.scatter [tilespmem:s9], [sflag:$0x3], $0xC000, $0x38;
	[tilespmem:$0x18100] =	vst v63  }
0xcf: {  	s26 =	rddreg [dreg:$0x8]  }
0xd0: {  	[hbm4b:s26+s3] =	stream.linear.scatter [tilespmem:s9], [sflag:$0x3], $0xC000, $0x38;
	[tilespmem:$0x18100] =	vst v63  }
0xd1: {  	_ =	swait.ge [sflag:s30], $0xC000  }
0xd2: {  	[sflag:s30] =	ssyncset.done $0x0  }
0xd3: {  	[sflag:s30] =	ssyncadd.s32 $0xFFFF4000  }
0xd4: {  	_ =	swait.ge [sflag:s30], $0xC000  }
0xd5: {  	[sflag:s30] =	ssyncset.done $0x0  }
0xd6: {  	[sflag:s30] =	ssyncadd.s32 $0xFFFF4000  }
0xd7: {  	_ =	swait.ge [sflag:s30], $0xC000  }
0xd8: {  	[sflag:s30] =	ssyncset.done $0x0  }
0xd9: {  	[sflag:s30] =	ssyncadd.s32 $0xFFFF4000  }
0xda: {  	_ =	swait.ge [sflag:s30], $0xC000  }
0xdb: {  	[sflag:s30] =	ssyncset.done $0x0  }
0xdc: {  	[sflag:s30] =	ssyncadd.s32 $0xFFFF4000  }
0xdd: {  	v13 =	vld [tilespmem:$0xE0];
	_ =	sdelay $0x4  }
0xde: {  	v14 =	vshll.u32 v13, $0x3  }
0xdf: {  	v13 =	vand.u32 $0x7, v13;
	v14 =	vand.u32 $0xFFFFFFC0, v14  }
0xe0: {  	v13 =	vor.u32 v13, v14  }
0xe1: {  	v14 =	vperm.xlane v13, v10;
	_ =	sdelay $0x1  }
0xe2: {  	v14 =	vadd.s32 v11, v14;
	_ =	sdelay $0x4  }
0xe3: {  	[tilespmem:s9], [sflag:$0x1] =	stream.indirect_vreg.gather [hbm4b:s2+s3], $0x80, v14, vm0, $0xb8;
	[tilespmem:$0x18100] =	vst v63  }
0xe4: {  	v13 =	vperm.xlane v13, v12  }
0xe5: {  	[tilespmem:s10], [sflag:$0x1] =	stream.indirect_vreg.gather [hbm4b:s4+s3], $0x80, v14, vm0, $0xb8;
	[tilespmem:$0x18100] =	vst v63  }
0xe6: {  	v13 =	vadd.s32 v11, v13  }
0xe7: {  	[tilespmem:s11], [sflag:$0x1] =	stream.indirect_vreg.gather [hbm4b:s5+s3], $0x80, v14, vm0, $0xb8;
	[tilespmem:$0x18100] =	vst v63  }
0xe8: {  	_ = 	snop  }
0xe9: {  	[tilespmem:s12], [sflag:$0x1] =	stream.indirect_vreg.gather [hbm4b:s6+s3], $0x80, v14, vm0, $0xb8;
	[tilespmem:$0x18100] =	vst v63  }
0xea: {  	_ = 	snop  }
0xeb: {  	[tilespmem:s13], [sflag:$0x1] =	stream.indirect_vreg.gather [hbm4b:s2+s3], $0x80, v13, vm0, $0xb8;
	[tilespmem:$0x18100] =	vst v63  }
0xec: {  	_ = 	snop  }
0xed: {  	[tilespmem:s14], [sflag:$0x1] =	stream.indirect_vreg.gather [hbm4b:s4+s3], $0x80, v13, vm0, $0xb8;
	[tilespmem:$0x18100] =	vst v63  }
0xee: {  	_ = 	snop  }
0xef: {  	[tilespmem:s15], [sflag:$0x1] =	stream.indirect_vreg.gather [hbm4b:s5+s3], $0x80, v13, vm0, $0xb8;
	[tilespmem:$0x18100] =	vst v63  }
0xf0: {  	_ = 	snop  }
0xf1: {  	[tilespmem:s16], [sflag:$0x1] =	stream.indirect_vreg.gather [hbm4b:s6+s3], $0x80, v13, vm0, $0xb8;
	[tilespmem:$0x18100] =	vst v63  }
0xf2: {  	v13 =	vld [tilespmem:$0xF0];
	_ =	sdelay $0x4  }
0xf3: {  	v14 =	vshll.u32 v13, $0x3  }
0xf4: {  	v13 =	vand.u32 $0x7, v13;
	v14 =	vand.u32 $0xFFFFFFC0, v14  }
0xf5: {  	v13 =	vor.u32 v13, v14  }
0xf6: {  	v14 =	vperm.xlane v13, v10;
	_ =	sdelay $0x1  }
0xf7: {  	v14 =	vadd.s32 v11, v14;
	_ =	sdelay $0x4  }
0xf8: {  	[tilespmem:s17], [sflag:$0x1] =	stream.indirect_vreg.gather [hbm4b:s2+s3], $0x80, v14, vm0, $0xb8;
	[tilespmem:$0x18100] =	vst v63  }
0xf9: {  	v13 =	vperm.xlane v13, v12  }
0xfa: {  	[tilespmem:s18], [sflag:$0x1] =	stream.indirect_vreg.gather [hbm4b:s4+s3], $0x80, v14, vm0, $0xb8;
	[tilespmem:$0x18100] =	vst v63  }
0xfb: {  	v13 =	vadd.s32 v11, v13  }
0xfc: {  	[tilespmem:s19], [sflag:$0x1] =	stream.indirect_vreg.gather [hbm4b:s5+s3], $0x80, v14, vm0, $0xb8;
	[tilespmem:$0x18100] =	vst v63  }
0xfd: {  	_ = 	snop  }
0xfe: {  	[tilespmem:s20], [sflag:$0x1] =	stream.indirect_vreg.gather [hbm4b:s6+s3], $0x80, v14, vm0, $0xb8;
	[tilespmem:$0x18100] =	vst v63  }
0xff: {  	_ = 	snop  }
0x100: {  	[tilespmem:s21], [sflag:$0x1] =	stream.indirect_vreg.gather [hbm4b:s2+s3], $0x80, v13, vm0, $0xb8;
	[tilespmem:$0x18100] =	vst v63  }
0x101: {  	_ = 	snop  }
0x102: {  	[tilespmem:s22], [sflag:$0x1] =	stream.indirect_vreg.gather [hbm4b:s4+s3], $0x80, v13, vm0, $0xb8;
	[tilespmem:$0x18100] =	vst v63  }
0x103: {  	_ = 	snop  }
0x104: {  	[tilespmem:s23], [sflag:$0x1] =	stream.indirect_vreg.gather [hbm4b:s5+s3], $0x80, v13, vm0, $0xb8;
	[tilespmem:$0x18100] =	vst v63  }
0x105: {  	_ = 	snop  }
0x106: {  	[tilespmem:s24], [sflag:$0x1] =	stream.indirect_vreg.gather [hbm4b:s6+s3], $0x80, v13, vm0, $0xb8;
	[tilespmem:$0x18100] =	vst v63  }
0x107: {  	_ =	swait.ge [sflag:s31], $0xC000  }
0x108: {  	[sflag:s31] =	ssyncset.done $0x0  }
0x109: {  	s1 =	rddreg [dreg:$0x9];
	[sflag:s31] =	ssyncadd.s32 $0xFFFF4000  }
0x10a: {  	[hbm4b:s1+s3] =	stream.linear.scatter [tilespmem:s25], [sflag:$0x4], $0xC000, $0x38;
	[tilespmem:$0x18100] =	vst v63  }
0x10b: {  	s26 =	rddreg [dreg:$0xa]  }
0x10c: {  	[hbm4b:s26+s3] =	stream.linear.scatter [tilespmem:s25], [sflag:$0x4], $0xC000, $0x38;
	[tilespmem:$0x18100] =	vst v63  }
0x10d: {  	s1 =	rddreg [dreg:$0xb]  }
0x10e: {  	[hbm4b:s1+s3] =	stream.linear.scatter [tilespmem:s25], [sflag:$0x4], $0xC000, $0x38;
	[tilespmem:$0x18100] =	vst v63  }
0x10f: {  	s26 =	rddreg [dreg:$0xc]  }
0x110: {  	[hbm4b:s26+s3] =	stream.linear.scatter [tilespmem:s25], [sflag:$0x4], $0xC000, $0x38;
	[tilespmem:$0x18100] =	vst v63  }
0x111: {  	_ =	swait.ge [sflag:s29], $0x8000  }
0x112: {  	[sflag:s29] =	ssyncset.done $0x0  }
0x113: {  	s1 =	rddreg [dreg:$0xd];
	[sflag:s29] =	ssyncadd.s32 $0xFFFF8000  }
0x114: {  	[hbm4b:s1+s3] =	stream.linear.scatter [tilespmem:s9], [sflag:$0x3], $0x8000, $0x38;
	[tilespmem:$0x18100] =	vst v63  }
0x115: {  	s26 =	rddreg [dreg:$0xe]  }
0x116: {  	[hbm4b:s26+s3] =	stream.linear.scatter [tilespmem:s9], [sflag:$0x3], $0x8000, $0x38;
	[tilespmem:$0x18100] =	vst v63  }
0x117: {  	s1 =	rddreg [dreg:$0xf]  }
0x118: {  	[hbm4b:s1+s3] =	stream.linear.scatter [tilespmem:s9], [sflag:$0x3], $0x8000, $0x38;
	[tilespmem:$0x18100] =	vst v63  }
0x119: {  	s26 =	rddreg [dreg:$0x10]  }
0x11a: {  	[hbm4b:s26+s3] =	stream.linear.scatter [tilespmem:s9], [sflag:$0x3], $0x8000, $0x38;
	[tilespmem:$0x18100] =	vst v63  }
0x11b: {  	_ =	swait.ge [sflag:s30], $0x8000  }
0x11c: {  	[sflag:s30] =	ssyncset.done $0x0  }
0x11d: {  	[sflag:s30] =	ssyncadd.s32 $0xFFFF8000  }
0x11e: {  	_ =	swait.ge [sflag:s30], $0x8000  }
0x11f: {  	[sflag:s30] =	ssyncset.done $0x0  }
0x120: {  	[sflag:s30] =	ssyncadd.s32 $0xFFFF8000  }
0x121: {  	_ =	swait.ge [sflag:s30], $0x8000  }
0x122: {  	[sflag:s30] =	ssyncset.done $0x0  }
0x123: {  	[sflag:s30] =	ssyncadd.s32 $0xFFFF8000  }
0x124: {  	_ =	swait.ge [sflag:s30], $0x8000  }
0x125: {  	[sflag:s30] =	ssyncset.done $0x0  }
0x126: {  	[sflag:s30] =	ssyncadd.s32 $0xFFFF8000  }
0x127: {  	_ =	swait.ge [sflag:s0], $0xC000  }
0x128: {  	[sflag:s0] =	ssyncset.done $0x0  }
0x129: {  	[sflag:s0] =	ssyncadd.s32 $0xFFFF4000  }
0x12a: {  	_ =	swait.ge [sflag:s0], $0xC000  }
0x12b: {  	[sflag:s0] =	ssyncset.done $0x0  }
0x12c: {  	[sflag:s0] =	ssyncadd.s32 $0xFFFF4000  }
0x12d: {  	p0 =	sne.s32 s7, $0x1;
	_ =	swait.ge [sflag:s0], $0xC000  }
.Ltmp0:
0x12e: {  	[sflag:s0] =	ssyncset.done $0x0;
	(pc) =	sbr.rel @p0 .LBB2_1-.Ltmp0, $4  }
0x12f: {  	[sflag:s0] =	ssyncadd.s32 $0xFFFF4000  }
0x130: {  	_ =	swait.ge [sflag:s0], $0xC000  }
0x131: {  	[sflag:s0] =	ssyncset.done $0x0  }
0x132: {  	s7 =	sadd.s32 $0xFFFFFFFF, s7;
	[sflag:s0] =	ssyncadd.s32 $0xFFFF4000  }
0x133: {  	_ =	sfence.sel $0x180000  }
0x134: {  	[bflag:$0x0] =	sbarrier.arrive $0xFFFF  }
0x135: {  	_ =	strace $0x90000047  }
0x136: {  	s0 =	stileid.u32;
	[bflag:$0x2] =	sbarrier.arrive $0xFFFF  }
0x137: {  	p0 =	sne.s32 s0, $0x0;
	s0 =	rddreg [dreg:$0x3]  }
0x138: {  	s0 =	sadd.s32 @!p0 $0x100000, s0  }
0x139: {  	[sflag:s0] =	ssyncadd.tile.s32 @!p0 $0x1;
	_ =	shalt  }
.Lfunc_end2:
_tile_overlayer_lowered:
.L_overlay_start_2:
0x13a: {  	(tag) =	ssettag $0x2  }
0x13b: {  	s0 =	rddreg [dreg:$0x0];
	s2 =	stileid.u32  }
0x13c: {  	s1 =	rddreg [dreg:$0x1];
	p0 =	sne.s32 s2, $0x0  }
0x13d: {  	s3 =	rddreg [dreg:$0x2];
	[bflag:$0x3] =	sbarrier.arrive $0xFFFF;
	s2 =	simm.s32 @!p0 $0x1C05  }
0x13e: {  	[timem:s3], [sflag:s2] =	dma.local @!p0 [hbm:s0], s1  }
0x13f: {  	s0 =	simm.s32 @!p0 $0x5  }
0x140: {  	_ =	swait.ge @!p0 [sflag:s0], s1  }
0x141: {  	s1 =	ssub.s32 @!p0 $0x0, s1;
	[sflag:s0] =	ssyncset.done @!p0 $0x0  }
0x142: {  	[sflag:s0] =	ssyncadd.s32 @!p0 s1  }
0x143: {  	[bflag:$0x3] =	sbarrier.arrive $0xFFFF  }
0x144: {  	_ =	shalt  }

</sc_bundles>
